<compile_context>
chip_gen: v7x
topology: tpu7x:2x2x1
jax: 0.10.2.dev20260603
libtpu: 0.0.44.dev20260713+nightly
codegen_flags: <defaults>
</compile_context>

<pallas_src>
import functools

import jax
import jax.numpy as jnp
from jax import lax
from jax.experimental import pallas as pl
from jax.experimental.pallas import tpu as pltpu
from jax.experimental.pallas import tpu_sc as plsc

NC = 2
NS = 16
L = 16
NW = NC * NS

E = 320000
E_PAD = 327680
EPW = E_PAD // NW
C = 128
NCHUNK = EPW // C
D = 128
W = D // 2
V = 10000
NBUF = 2


def _sc_partials(src_idx, dst_idx, emb_hbm_i32):
    mesh = plsc.VectorSubcoreMesh(
        core_axis_name="c", subcore_axis_name="s", num_cores=NC,
        num_subcores=NS)

    @functools.partial(
        pl.kernel,
        out_type=jax.ShapeDtypeStruct((NW, L), jnp.float32),
        mesh=mesh,
        compiler_params=pltpu.CompilerParams(
            use_tc_tiling_on_sc=False, needs_layout_passes=False),
        scratch_types=[
            pltpu.VMEM((NBUF, C), jnp.int32),
            pltpu.VMEM((NBUF, C), jnp.int32),
            pltpu.VMEM((NBUF, C, W), jnp.int32),
            pltpu.VMEM((NBUF, C, W), jnp.int32),
            pltpu.VMEM((L,), jnp.float32),
            pltpu.VMEM_SHARED((V, W), jnp.int32),
            pltpu.SemaphoreType.DMA,
            pltpu.SemaphoreType.DMA,
            pltpu.SemaphoreType.DMA,
        ],
    )
    def k(src_hbm, dst_hbm, emb_hbm, out_hbm, sbuf, dbuf, srows, drows, accv,
          table, semg0, semg1, semi):
        sid = lax.axis_index("s")
        wid = sid * NC + lax.axis_index("c")
        semg = (semg0, semg1)

        bounce = srows.at[0].at[pl.ds(0, 80)]

        @pl.loop(0, (V // 80 + NS - 1) // NS)
        def _(i):
            g = sid + i * NS

            @pl.when(g < V // 80)
            def _():
                pltpu.sync_copy(emb_hbm.at[pl.ds(g * 80, 80)], bounce)
                pltpu.sync_copy(bounce, table.at[pl.ds(g * 80, 80)])

        plsc.subcore_barrier()

        def issue_idx(b, c):
            pltpu.async_copy(src_hbm.at[wid].at[c], sbuf.at[b], semi)
            pltpu.async_copy(dst_hbm.at[wid].at[c], dbuf.at[b], semi)

        def wait_idx(b, c):
            pltpu.make_async_copy(
                src_hbm.at[wid].at[c], sbuf.at[b], semi).wait()
            pltpu.make_async_copy(
                dst_hbm.at[wid].at[c], dbuf.at[b], semi).wait()

        def issue_gather(b, c):
            pltpu.async_copy(table.at[sbuf.at[b]], srows.at[b], semg[b])
            pltpu.async_copy(table.at[dbuf.at[b]], drows.at[b], semg[b])

        def drain_gather(b):
            pltpu.make_async_copy(
                table.at[sbuf.at[b]], srows.at[b], semg[b]).wait()
            pltpu.make_async_copy(
                table.at[dbuf.at[b]], drows.at[b], semg[b]).wait()

        for b in range(NBUF):
            issue_idx(b, b)
        for b in range(NBUF):
            wait_idx(b, b)
            issue_gather(b, b)

        @pl.loop(0, NCHUNK, step=NBUF,
                 init_carry=jnp.zeros((L,), jnp.float32))
        def outer(c, acc):
            for b in range(NBUF):
                cur = c + b
                nxt = cur + NBUF
                drain_gather(b)

                @pl.when(nxt < NCHUNK)
                def _():
                    issue_idx(b, nxt)

                def row_body(r, accs):
                    out = []
                    hi = jnp.full((L,), -65536, jnp.int32)
                    for j in range(W // L):
                        s = srows[b, r, pl.ds(j * L, L)]
                        d = drows[b, r, pl.ds(j * L, L)]
                        df = plsc.bitcast(
                            plsc.bitcast(s, jnp.bfloat16)
                            - plsc.bitcast(d, jnp.bfloat16),
                            jnp.int32)
                        df0 = lax.bitcast_convert_type(df & hi, jnp.float32)
                        df1 = lax.bitcast_convert_type(df << 16, jnp.float32)
                        out.append(accs[2 * j] + df0 * df0)
                        out.append(accs[2 * j + 1] + df1 * df1)
                    return tuple(out)

                zeros = tuple(
                    jnp.zeros((L,), jnp.float32) for _ in range(D // L))
                accs = lax.fori_loop(0, C, row_body, zeros, unroll=4)
                a0 = (accs[0] + accs[1]) + (accs[2] + accs[3])
                a1 = (accs[4] + accs[5]) + (accs[6] + accs[7])
                acc = acc + (a0 + a1)

                @pl.when(nxt < NCHUNK)
                def _():
                    wait_idx(b, nxt)
                    issue_gather(b, nxt)

            return acc

        accv[...] = outer
        pltpu.sync_copy(accv, out_hbm.at[wid])

    return k(src_idx, dst_idx, emb_hbm_i32)


def kernel(embeddings, edge_index):
    idx = edge_index.astype(jnp.int32)
    pad = jnp.zeros((2, E_PAD - E), jnp.int32)
    idx = jnp.concatenate([idx, pad], axis=1)
    idx = idx.reshape(2, NW, NCHUNK, C)
    emb_bf = embeddings.astype(jnp.bfloat16)
    emb_i32 = jax.lax.bitcast_convert_type(
        emb_bf.reshape(V, W, 2), jnp.int32)
    partials = _sc_partials(idx[0], idx[1], emb_i32)
    return (0.1 / (E * D)) * jnp.sum(partials)

# --- scband reference (transcript-rebuilt; emitter-appended) ---
"""Pipeline reference for scband-neighbor-similarity-loss-317827579958 (READ-ONLY COPY).

The authoritative reference and input builder live on the scoring server;
editing this copy changes nothing except your own understanding.
"""

import jax, jax.numpy as jnp
import numpy as np


def setup_inputs(seed: int = 0) -> dict:
    key = jax.random.key(seed)
    k1, k2 = jax.random.split(key)
    embeddings = jax.random.normal(k1, (10000, 128), dtype=jnp.float32)
    edge_index = jax.random.randint(k2, (2, 320000), 0, 10000, dtype=jnp.int64)
    return {"embeddings": embeddings, "edge_index": edge_index}


def reference(embeddings, edge_index):
    lambda_reg = 0.1
    src = edge_index[0]
    dst = edge_index[1]
    src_emb = jnp.take(embeddings, src, axis=0)
    dst_emb = jnp.take(embeddings, dst, axis=0)
    diff = src_emb - dst_emb
    similarity_loss = jnp.mean(diff * diff)
    return lambda_reg * similarity_loss

if __name__ == "__main__":
    import jax
    _d = setup_inputs()
    print(jax.jit(kernel)(*tuple(_d.values())))

</pallas_src>

<mosaic_0001>
#map = affine_map<(d0, d1) -> (0, 0, 0)>
#map1 = affine_map<(d0, d1) -> (0, 0)>
module attributes {stable_mosaic.version = 14 : i64} {
  func.func @k(%arg0: i32, %arg1: i32, %arg2: memref<32x80x128xi32, #tpu.memory_space<hbm>>, %arg3: memref<32x80x128xi32, #tpu.memory_space<hbm>>, %arg4: memref<10000x64xi32, #tpu.memory_space<hbm>>, %arg5: memref<32x16xf32, #tpu.memory_space<hbm>>, %arg6: memref<2x128xi32, #tpu.memory_space<vmem>>, %arg7: memref<2x128xi32, #tpu.memory_space<vmem>>, %arg8: memref<2x128x64xi32, #tpu.memory_space<vmem>>, %arg9: memref<2x128x64xi32, #tpu.memory_space<vmem>>, %arg10: memref<16xf32, #tpu.memory_space<vmem>>, %arg11: memref<10000x64xi32, #tpu.memory_space<vmem_shared>>, %arg12: memref<!tpu.dma_semaphore, #tpu.memory_space<semaphore_mem>>, %arg13: memref<!tpu.dma_semaphore, #tpu.memory_space<semaphore_mem>>, %arg14: memref<!tpu.dma_semaphore, #tpu.memory_space<semaphore_mem>>) attributes {dimension_semantics = [#tpu.dimension_semantics<core_parallel>, #tpu.dimension_semantics<subcore_parallel>], iteration_bounds = array<i64: 2, 16>, scalar_prefetch = 0 : i64, scratch_operands = 9 : i64, tpu.core_type = #tpu.core_type<sc_vector_subcore>, window_params = [{transform_indices = #map}, {transform_indices = #map}, {transform_indices = #map1}, {transform_indices = #map1}]} {
    %mul3A = arith.constant 2 : i32
    %mul3A_0 = arith.muli %arg1, %mul3A : i32
    %add3A = arith.addi %mul3A_0, %arg0 : i32
    %scan3A = arith.constant 0 : i32
    %scan3A_1 = arith.constant 0 : i32
    %scan3A_2 = arith.constant 8 : i32
    %scan3A_3 = arith.addi %scan3A_1, %scan3A_2 : i32
    %scan3A_4 = arith.constant 1 : i32
    scf.for %scan3A_236 = %scan3A_1 to %scan3A_3 step %scan3A_4  : i32 {
      %mul3A_237 = arith.constant 1 : i32
      %mul3A_238 = arith.muli %scan3A_236, %mul3A_237 : i32
      %add3A_239 = arith.constant 0 : i32
      %add3A_240 = arith.addi %add3A_239, %mul3A_238 : i32
      %mul3A_241 = arith.constant 16 : i32
      %mul3A_242 = arith.muli %add3A_240, %mul3A_241 : i32
      %add3A_243 = arith.addi %arg1, %mul3A_242 : i32
      %lt3A = arith.constant 125 : i32
      %lt3A_244 = arith.cmpi slt, %add3A_243, %lt3A : i32
      %convert_element_type3A = arith.extui %lt3A_244 : i1 to i32
      %cond3A = arith.constant 0 : i32
      %cond3A_245 = arith.cmpi ne, %convert_element_type3A, %cond3A : i32
      scf.if %cond3A_245 {
        %mul3A_246 = arith.constant 80 : i32
        %mul3A_247 = arith.muli %add3A_243, %mul3A_246 : i32
        "tpu.region"() ({
          %run_scoped3A = tpu.sem_alloc : memref<!tpu.dma_semaphore, #tpu.memory_space<semaphore_mem>>
          %dma_start3A_250 = arith.constant 0 : i32
          %dma_start3A_251 = arith.constant 0 : i32
          %dma_start3A_252 = tpu.memref_slice %arg8[%scan3A, %dma_start3A_250, %dma_start3A_251] : memref<2x128x64xi32, #tpu.memory_space<vmem>> -> memref<1x128x64xi32, #tpu.memory_space<vmem>>
          %dma_start3A_253 = tpu.memref_squeeze %dma_start3A_252 : memref<1x128x64xi32, #tpu.memory_space<vmem>> -> memref<128x64xi32, #tpu.memory_space<vmem>>
          %dma_start3A_254 = arith.constant 0 : i32
          %dma_start3A_255 = arith.constant 0 : i32
          %dma_start3A_256 = tpu.memref_slice %dma_start3A_253[%dma_start3A_254, %dma_start3A_255] : memref<128x64xi32, #tpu.memory_space<vmem>> -> memref<80x64xi32, #tpu.memory_space<vmem>>
          %dma_start3A_257 = arith.constant 0 : i32
          %dma_start3A_258 = tpu.memref_slice %arg4[%mul3A_247, %dma_start3A_257] : memref<10000x64xi32, #tpu.memory_space<hbm>> -> memref<80x64xi32, #tpu.memory_space<hbm>>
          %dma_start3A_259 = arith.constant 0 : i32
          %dma_start3A_260 = arith.constant 0 : i32
          %dma_start3A_261 = tpu.memref_slice %arg8[%scan3A, %dma_start3A_259, %dma_start3A_260] : memref<2x128x64xi32, #tpu.memory_space<vmem>> -> memref<1x128x64xi32, #tpu.memory_space<vmem>>
          %dma_start3A_262 = tpu.memref_squeeze %dma_start3A_261 : memref<1x128x64xi32, #tpu.memory_space<vmem>> -> memref<128x64xi32, #tpu.memory_space<vmem>>
          %dma_start3A_263 = arith.constant 0 : i32
          %dma_start3A_264 = arith.constant 0 : i32
          %dma_start3A_265 = tpu.memref_slice %dma_start3A_262[%dma_start3A_263, %dma_start3A_264] : memref<128x64xi32, #tpu.memory_space<vmem>> -> memref<80x64xi32, #tpu.memory_space<vmem>>
          %dma_start3A_266 = arith.constant 0 : i32
          %dma_start3A_267 = tpu.memref_slice %arg4[%mul3A_247, %dma_start3A_266] : memref<10000x64xi32, #tpu.memory_space<hbm>> -> memref<80x64xi32, #tpu.memory_space<hbm>>
          tpu.enqueue_dma source(%dma_start3A_267 : memref<80x64xi32, #tpu.memory_space<hbm>>) target(%dma_start3A_265 : memref<80x64xi32, #tpu.memory_space<vmem>>) target_semaphore(%run_scoped3A : memref<!tpu.dma_semaphore, #tpu.memory_space<semaphore_mem>>)
          %dma_wait3A_268 = arith.constant 0 : i32
          %dma_wait3A_269 = arith.constant 0 : i32
          %dma_wait3A_270 = tpu.memref_slice %arg8[%scan3A, %dma_wait3A_268, %dma_wait3A_269] : memref<2x128x64xi32, #tpu.memory_space<vmem>> -> memref<1x128x64xi32, #tpu.memory_space<vmem>>
          %dma_wait3A_271 = tpu.memref_squeeze %dma_wait3A_270 : memref<1x128x64xi32, #tpu.memory_space<vmem>> -> memref<128x64xi32, #tpu.memory_space<vmem>>
          %dma_wait3A_272 = arith.constant 0 : i32
          %dma_wait3A_273 = arith.constant 0 : i32
          %dma_wait3A_274 = tpu.memref_slice %dma_wait3A_271[%dma_wait3A_272, %dma_wait3A_273] : memref<128x64xi32, #tpu.memory_space<vmem>> -> memref<80x64xi32, #tpu.memory_space<vmem>>
          %dma_wait3A_275 = arith.constant 0 : i32
          %dma_wait3A_276 = tpu.memref_slice %arg4[%mul3A_247, %dma_wait3A_275] : memref<10000x64xi32, #tpu.memory_space<hbm>> -> memref<80x64xi32, #tpu.memory_space<hbm>>
          %dma_wait3A_277 = arith.constant 0 : i32
          %dma_wait3A_278 = arith.constant 0 : i32
          %dma_wait3A_279 = tpu.memref_slice %arg8[%scan3A, %dma_wait3A_277, %dma_wait3A_278] : memref<2x128x64xi32, #tpu.memory_space<vmem>> -> memref<1x128x64xi32, #tpu.memory_space<vmem>>
          %dma_wait3A_280 = tpu.memref_squeeze %dma_wait3A_279 : memref<1x128x64xi32, #tpu.memory_space<vmem>> -> memref<128x64xi32, #tpu.memory_space<vmem>>
          %dma_wait3A_281 = arith.constant 0 : i32
          %dma_wait3A_282 = arith.constant 0 : i32
          %dma_wait3A_283 = tpu.memref_slice %dma_wait3A_280[%dma_wait3A_281, %dma_wait3A_282] : memref<128x64xi32, #tpu.memory_space<vmem>> -> memref<80x64xi32, #tpu.memory_space<vmem>>
          %dma_wait3A_284 = arith.constant 0 : i32
          %dma_wait3A_285 = tpu.memref_slice %arg4[%mul3A_247, %dma_wait3A_284] : memref<10000x64xi32, #tpu.memory_space<hbm>> -> memref<80x64xi32, #tpu.memory_space<hbm>>
          tpu.wait_dma2 semaphore(%run_scoped3A : memref<!tpu.dma_semaphore, #tpu.memory_space<semaphore_mem>>) src(%dma_wait3A_285 : memref<80x64xi32, #tpu.memory_space<hbm>>) dst(%dma_wait3A_283 : memref<80x64xi32, #tpu.memory_space<vmem>>)
          tpu.yield
        }) : () -> ()
        %mul3A_248 = arith.constant 80 : i32
        %mul3A_249 = arith.muli %add3A_243, %mul3A_248 : i32
        "tpu.region"() ({
          %run_scoped3A = tpu.sem_alloc : memref<!tpu.dma_semaphore, #tpu.memory_space<semaphore_mem>>
          %dma_start3A_250 = arith.constant 0 : i32
          %dma_start3A_251 = arith.constant 0 : i32
          %dma_start3A_252 = tpu.memref_slice %arg8[%scan3A, %dma_start3A_250, %dma_start3A_251] : memref<2x128x64xi32, #tpu.memory_space<vmem>> -> memref<1x128x64xi32, #tpu.memory_space<vmem>>
          %dma_start3A_253 = tpu.memref_squeeze %dma_start3A_252 : memref<1x128x64xi32, #tpu.memory_space<vmem>> -> memref<128x64xi32, #tpu.memory_space<vmem>>
          %dma_start3A_254 = arith.constant 0 : i32
          %dma_start3A_255 = arith.constant 0 : i32
          %dma_start3A_256 = tpu.memref_slice %dma_start3A_253[%dma_start3A_254, %dma_start3A_255] : memref<128x64xi32, #tpu.memory_space<vmem>> -> memref<80x64xi32, #tpu.memory_space<vmem>>
          %dma_start3A_257 = arith.constant 0 : i32
          %dma_start3A_258 = tpu.memref_slice %arg11[%mul3A_249, %dma_start3A_257] : memref<10000x64xi32, #tpu.memory_space<vmem_shared>> -> memref<80x64xi32, #tpu.memory_space<vmem_shared>>
          %dma_start3A_259 = arith.constant 0 : i32
          %dma_start3A_260 = tpu.memref_slice %arg11[%mul3A_249, %dma_start3A_259] : memref<10000x64xi32, #tpu.memory_space<vmem_shared>> -> memref<80x64xi32, #tpu.memory_space<vmem_shared>>
          %dma_start3A_261 = arith.constant 0 : i32
          %dma_start3A_262 = arith.constant 0 : i32
          %dma_start3A_263 = tpu.memref_slice %arg8[%scan3A, %dma_start3A_261, %dma_start3A_262] : memref<2x128x64xi32, #tpu.memory_space<vmem>> -> memref<1x128x64xi32, #tpu.memory_space<vmem>>
          %dma_start3A_264 = tpu.memref_squeeze %dma_start3A_263 : memref<1x128x64xi32, #tpu.memory_space<vmem>> -> memref<128x64xi32, #tpu.memory_space<vmem>>
          %dma_start3A_265 = arith.constant 0 : i32
          %dma_start3A_266 = arith.constant 0 : i32
          %dma_start3A_267 = tpu.memref_slice %dma_start3A_264[%dma_start3A_265, %dma_start3A_266] : memref<128x64xi32, #tpu.memory_space<vmem>> -> memref<80x64xi32, #tpu.memory_space<vmem>>
          tpu.enqueue_dma source(%dma_start3A_267 : memref<80x64xi32, #tpu.memory_space<vmem>>) target(%dma_start3A_260 : memref<80x64xi32, #tpu.memory_space<vmem_shared>>) target_semaphore(%run_scoped3A : memref<!tpu.dma_semaphore, #tpu.memory_space<semaphore_mem>>)
          %dma_wait3A_268 = arith.constant 0 : i32
          %dma_wait3A_269 = arith.constant 0 : i32
          %dma_wait3A_270 = tpu.memref_slice %arg8[%scan3A, %dma_wait3A_268, %dma_wait3A_269] : memref<2x128x64xi32, #tpu.memory_space<vmem>> -> memref<1x128x64xi32, #tpu.memory_space<vmem>>
          %dma_wait3A_271 = tpu.memref_squeeze %dma_wait3A_270 : memref<1x128x64xi32, #tpu.memory_space<vmem>> -> memref<128x64xi32, #tpu.memory_space<vmem>>
          %dma_wait3A_272 = arith.constant 0 : i32
          %dma_wait3A_273 = arith.constant 0 : i32
          %dma_wait3A_274 = tpu.memref_slice %dma_wait3A_271[%dma_wait3A_272, %dma_wait3A_273] : memref<128x64xi32, #tpu.memory_space<vmem>> -> memref<80x64xi32, #tpu.memory_space<vmem>>
          %dma_wait3A_275 = arith.constant 0 : i32
          %dma_wait3A_276 = tpu.memref_slice %arg11[%mul3A_249, %dma_wait3A_275] : memref<10000x64xi32, #tpu.memory_space<vmem_shared>> -> memref<80x64xi32, #tpu.memory_space<vmem_shared>>
          %dma_wait3A_277 = arith.constant 0 : i32
          %dma_wait3A_278 = tpu.memref_slice %arg11[%mul3A_249, %dma_wait3A_277] : memref<10000x64xi32, #tpu.memory_space<vmem_shared>> -> memref<80x64xi32, #tpu.memory_space<vmem_shared>>
          %dma_wait3A_279 = arith.constant 0 : i32
          %dma_wait3A_280 = arith.constant 0 : i32
          %dma_wait3A_281 = tpu.memref_slice %arg8[%scan3A, %dma_wait3A_279, %dma_wait3A_280] : memref<2x128x64xi32, #tpu.memory_space<vmem>> -> memref<1x128x64xi32, #tpu.memory_space<vmem>>
          %dma_wait3A_282 = tpu.memref_squeeze %dma_wait3A_281 : memref<1x128x64xi32, #tpu.memory_space<vmem>> -> memref<128x64xi32, #tpu.memory_space<vmem>>
          %dma_wait3A_283 = arith.constant 0 : i32
          %dma_wait3A_284 = arith.constant 0 : i32
          %dma_wait3A_285 = tpu.memref_slice %dma_wait3A_282[%dma_wait3A_283, %dma_wait3A_284] : memref<128x64xi32, #tpu.memory_space<vmem>> -> memref<80x64xi32, #tpu.memory_space<vmem>>
          tpu.wait_dma2 semaphore(%run_scoped3A : memref<!tpu.dma_semaphore, #tpu.memory_space<semaphore_mem>>) src(%dma_wait3A_285 : memref<80x64xi32, #tpu.memory_space<vmem>>) dst(%dma_wait3A_278 : memref<80x64xi32, #tpu.memory_space<vmem_shared>>)
          tpu.yield
        }) : () -> ()
      } else {
      }
    }
    %scan3A_5 = arith.constant 8 : i32
    %barrier3A = arith.constant 0 : index
    tpu.barrier barrier_id(%barrier3A)
    %dma_start3A = arith.constant 0 : i32
    %dma_start3A_6 = arith.constant 0 : i32
    %dma_start3A_7 = arith.constant 0 : i32
    %dma_start3A_8 = tpu.memref_slice %arg6[%dma_start3A_6, %dma_start3A_7] : memref<2x128xi32, #tpu.memory_space<vmem>> -> memref<1x128xi32, #tpu.memory_space<vmem>>
    %dma_start3A_9 = tpu.memref_squeeze %dma_start3A_8 : memref<1x128xi32, #tpu.memory_space<vmem>> -> memref<128xi32, #tpu.memory_space<vmem>>
    %dma_start3A_10 = arith.constant 0 : i32
    %dma_start3A_11 = arith.constant 0 : i32
    %dma_start3A_12 = tpu.memref_slice %arg2[%add3A, %dma_start3A_10, %dma_start3A_11] : memref<32x80x128xi32, #tpu.memory_space<hbm>> -> memref<1x80x128xi32, #tpu.memory_space<hbm>>
    %dma_start3A_13 = tpu.memref_squeeze %dma_start3A_12 : memref<1x80x128xi32, #tpu.memory_space<hbm>> -> memref<80x128xi32, #tpu.memory_space<hbm>>
    %dma_start3A_14 = arith.constant 0 : i32
    %dma_start3A_15 = tpu.memref_slice %dma_start3A_13[%dma_start3A, %dma_start3A_14] : memref<80x128xi32, #tpu.memory_space<hbm>> -> memref<1x128xi32, #tpu.memory_space<hbm>>
    %dma_start3A_16 = tpu.memref_squeeze %dma_start3A_15 : memref<1x128xi32, #tpu.memory_space<hbm>> -> memref<128xi32, #tpu.memory_space<hbm>>
    %dma_start3A_17 = arith.constant 0 : i32
    %dma_start3A_18 = tpu.memref_slice %arg6[%dma_start3A_6, %dma_start3A_17] : memref<2x128xi32, #tpu.memory_space<vmem>> -> memref<1x128xi32, #tpu.memory_space<vmem>>
    %dma_start3A_19 = tpu.memref_squeeze %dma_start3A_18 : memref<1x128xi32, #tpu.memory_space<vmem>> -> memref<128xi32, #tpu.memory_space<vmem>>
    %dma_start3A_20 = arith.constant 0 : i32
    %dma_start3A_21 = arith.constant 0 : i32
    %dma_start3A_22 = tpu.memref_slice %arg2[%add3A, %dma_start3A_20, %dma_start3A_21] : memref<32x80x128xi32, #tpu.memory_space<hbm>> -> memref<1x80x128xi32, #tpu.memory_space<hbm>>
    %dma_start3A_23 = tpu.memref_squeeze %dma_start3A_22 : memref<1x80x128xi32, #tpu.memory_space<hbm>> -> memref<80x128xi32, #tpu.memory_space<hbm>>
    %dma_start3A_24 = arith.constant 0 : i32
    %dma_start3A_25 = tpu.memref_slice %dma_start3A_23[%dma_start3A, %dma_start3A_24] : memref<80x128xi32, #tpu.memory_space<hbm>> -> memref<1x128xi32, #tpu.memory_space<hbm>>
    %dma_start3A_26 = tpu.memref_squeeze %dma_start3A_25 : memref<1x128xi32, #tpu.memory_space<hbm>> -> memref<128xi32, #tpu.memory_space<hbm>>
    tpu.enqueue_dma source(%dma_start3A_26 : memref<128xi32, #tpu.memory_space<hbm>>) target(%dma_start3A_19 : memref<128xi32, #tpu.memory_space<vmem>>) target_semaphore(%arg14 : memref<!tpu.dma_semaphore, #tpu.memory_space<semaphore_mem>>)
    %dma_start3A_27 = arith.constant 0 : i32
    %dma_start3A_28 = arith.constant 0 : i32
    %dma_start3A_29 = arith.constant 0 : i32
    %dma_start3A_30 = tpu.memref_slice %arg7[%dma_start3A_28, %dma_start3A_29] : memref<2x128xi32, #tpu.memory_space<vmem>> -> memref<1x128xi32, #tpu.memory_space<vmem>>
    %dma_start3A_31 = tpu.memref_squeeze %dma_start3A_30 : memref<1x128xi32, #tpu.memory_space<vmem>> -> memref<128xi32, #tpu.memory_space<vmem>>
    %dma_start3A_32 = arith.constant 0 : i32
    %dma_start3A_33 = arith.constant 0 : i32
    %dma_start3A_34 = tpu.memref_slice %arg3[%add3A, %dma_start3A_32, %dma_start3A_33] : memref<32x80x128xi32, #tpu.memory_space<hbm>> -> memref<1x80x128xi32, #tpu.memory_space<hbm>>
    %dma_start3A_35 = tpu.memref_squeeze %dma_start3A_34 : memref<1x80x128xi32, #tpu.memory_space<hbm>> -> memref<80x128xi32, #tpu.memory_space<hbm>>
    %dma_start3A_36 = arith.constant 0 : i32
    %dma_start3A_37 = tpu.memref_slice %dma_start3A_35[%dma_start3A_27, %dma_start3A_36] : memref<80x128xi32, #tpu.memory_space<hbm>> -> memref<1x128xi32, #tpu.memory_space<hbm>>
    %dma_start3A_38 = tpu.memref_squeeze %dma_start3A_37 : memref<1x128xi32, #tpu.memory_space<hbm>> -> memref<128xi32, #tpu.memory_space<hbm>>
    %dma_start3A_39 = arith.constant 0 : i32
    %dma_start3A_40 = tpu.memref_slice %arg7[%dma_start3A_28, %dma_start3A_39] : memref<2x128xi32, #tpu.memory_space<vmem>> -> memref<1x128xi32, #tpu.memory_space<vmem>>
    %dma_start3A_41 = tpu.memref_squeeze %dma_start3A_40 : memref<1x128xi32, #tpu.memory_space<vmem>> -> memref<128xi32, #tpu.memory_space<vmem>>
    %dma_start3A_42 = arith.constant 0 : i32
    %dma_start3A_43 = arith.constant 0 : i32
    %dma_start3A_44 = tpu.memref_slice %arg3[%add3A, %dma_start3A_42, %dma_start3A_43] : memref<32x80x128xi32, #tpu.memory_space<hbm>> -> memref<1x80x128xi32, #tpu.memory_space<hbm>>
    %dma_start3A_45 = tpu.memref_squeeze %dma_start3A_44 : memref<1x80x128xi32, #tpu.memory_space<hbm>> -> memref<80x128xi32, #tpu.memory_space<hbm>>
    %dma_start3A_46 = arith.constant 0 : i32
    %dma_start3A_47 = tpu.memref_slice %dma_start3A_45[%dma_start3A_27, %dma_start3A_46] : memref<80x128xi32, #tpu.memory_space<hbm>> -> memref<1x128xi32, #tpu.memory_space<hbm>>
    %dma_start3A_48 = tpu.memref_squeeze %dma_start3A_47 : memref<1x128xi32, #tpu.memory_space<hbm>> -> memref<128xi32, #tpu.memory_space<hbm>>
    tpu.enqueue_dma source(%dma_start3A_48 : memref<128xi32, #tpu.memory_space<hbm>>) target(%dma_start3A_41 : memref<128xi32, #tpu.memory_space<vmem>>) target_semaphore(%arg14 : memref<!tpu.dma_semaphore, #tpu.memory_space<semaphore_mem>>)
    %dma_start3A_49 = arith.constant 1 : i32
    %dma_start3A_50 = arith.constant 1 : i32
    %dma_start3A_51 = arith.constant 0 : i32
    %dma_start3A_52 = tpu.memref_slice %arg6[%dma_start3A_50, %dma_start3A_51] : memref<2x128xi32, #tpu.memory_space<vmem>> -> memref<1x128xi32, #tpu.memory_space<vmem>>
    %dma_start3A_53 = tpu.memref_squeeze %dma_start3A_52 : memref<1x128xi32, #tpu.memory_space<vmem>> -> memref<128xi32, #tpu.memory_space<vmem>>
    %dma_start3A_54 = arith.constant 0 : i32
    %dma_start3A_55 = arith.constant 0 : i32
    %dma_start3A_56 = tpu.memref_slice %arg2[%add3A, %dma_start3A_54, %dma_start3A_55] : memref<32x80x128xi32, #tpu.memory_space<hbm>> -> memref<1x80x128xi32, #tpu.memory_space<hbm>>
    %dma_start3A_57 = tpu.memref_squeeze %dma_start3A_56 : memref<1x80x128xi32, #tpu.memory_space<hbm>> -> memref<80x128xi32, #tpu.memory_space<hbm>>
    %dma_start3A_58 = arith.constant 0 : i32
    %dma_start3A_59 = tpu.memref_slice %dma_start3A_57[%dma_start3A_49, %dma_start3A_58] : memref<80x128xi32, #tpu.memory_space<hbm>> -> memref<1x128xi32, #tpu.memory_space<hbm>>
    %dma_start3A_60 = tpu.memref_squeeze %dma_start3A_59 : memref<1x128xi32, #tpu.memory_space<hbm>> -> memref<128xi32, #tpu.memory_space<hbm>>
    %dma_start3A_61 = arith.constant 0 : i32
    %dma_start3A_62 = tpu.memref_slice %arg6[%dma_start3A_50, %dma_start3A_61] : memref<2x128xi32, #tpu.memory_space<vmem>> -> memref<1x128xi32, #tpu.memory_space<vmem>>
    %dma_start3A_63 = tpu.memref_squeeze %dma_start3A_62 : memref<1x128xi32, #tpu.memory_space<vmem>> -> memref<128xi32, #tpu.memory_space<vmem>>
    %dma_start3A_64 = arith.constant 0 : i32
    %dma_start3A_65 = arith.constant 0 : i32
    %dma_start3A_66 = tpu.memref_slice %arg2[%add3A, %dma_start3A_64, %dma_start3A_65] : memref<32x80x128xi32, #tpu.memory_space<hbm>> -> memref<1x80x128xi32, #tpu.memory_space<hbm>>
    %dma_start3A_67 = tpu.memref_squeeze %dma_start3A_66 : memref<1x80x128xi32, #tpu.memory_space<hbm>> -> memref<80x128xi32, #tpu.memory_space<hbm>>
    %dma_start3A_68 = arith.constant 0 : i32
    %dma_start3A_69 = tpu.memref_slice %dma_start3A_67[%dma_start3A_49, %dma_start3A_68] : memref<80x128xi32, #tpu.memory_space<hbm>> -> memref<1x128xi32, #tpu.memory_space<hbm>>
    %dma_start3A_70 = tpu.memref_squeeze %dma_start3A_69 : memref<1x128xi32, #tpu.memory_space<hbm>> -> memref<128xi32, #tpu.memory_space<hbm>>
    tpu.enqueue_dma source(%dma_start3A_70 : memref<128xi32, #tpu.memory_space<hbm>>) target(%dma_start3A_63 : memref<128xi32, #tpu.memory_space<vmem>>) target_semaphore(%arg14 : memref<!tpu.dma_semaphore, #tpu.memory_space<semaphore_mem>>)
    %dma_start3A_71 = arith.constant 1 : i32
    %dma_start3A_72 = arith.constant 1 : i32
    %dma_start3A_73 = arith.constant 0 : i32
    %dma_start3A_74 = tpu.memref_slice %arg7[%dma_start3A_72, %dma_start3A_73] : memref<2x128xi32, #tpu.memory_space<vmem>> -> memref<1x128xi32, #tpu.memory_space<vmem>>
    %dma_start3A_75 = tpu.memref_squeeze %dma_start3A_74 : memref<1x128xi32, #tpu.memory_space<vmem>> -> memref<128xi32, #tpu.memory_space<vmem>>
    %dma_start3A_76 = arith.constant 0 : i32
    %dma_start3A_77 = arith.constant 0 : i32
    %dma_start3A_78 = tpu.memref_slice %arg3[%add3A, %dma_start3A_76, %dma_start3A_77] : memref<32x80x128xi32, #tpu.memory_space<hbm>> -> memref<1x80x128xi32, #tpu.memory_space<hbm>>
    %dma_start3A_79 = tpu.memref_squeeze %dma_start3A_78 : memref<1x80x128xi32, #tpu.memory_space<hbm>> -> memref<80x128xi32, #tpu.memory_space<hbm>>
    %dma_start3A_80 = arith.constant 0 : i32
    %dma_start3A_81 = tpu.memref_slice %dma_start3A_79[%dma_start3A_71, %dma_start3A_80] : memref<80x128xi32, #tpu.memory_space<hbm>> -> memref<1x128xi32, #tpu.memory_space<hbm>>
    %dma_start3A_82 = tpu.memref_squeeze %dma_start3A_81 : memref<1x128xi32, #tpu.memory_space<hbm>> -> memref<128xi32, #tpu.memory_space<hbm>>
    %dma_start3A_83 = arith.constant 0 : i32
    %dma_start3A_84 = tpu.memref_slice %arg7[%dma_start3A_72, %dma_start3A_83] : memref<2x128xi32, #tpu.memory_space<vmem>> -> memref<1x128xi32, #tpu.memory_space<vmem>>
    %dma_start3A_85 = tpu.memref_squeeze %dma_start3A_84 : memref<1x128xi32, #tpu.memory_space<vmem>> -> memref<128xi32, #tpu.memory_space<vmem>>
    %dma_start3A_86 = arith.constant 0 : i32
    %dma_start3A_87 = arith.constant 0 : i32
    %dma_start3A_88 = tpu.memref_slice %arg3[%add3A, %dma_start3A_86, %dma_start3A_87] : memref<32x80x128xi32, #tpu.memory_space<hbm>> -> memref<1x80x128xi32, #tpu.memory_space<hbm>>
    %dma_start3A_89 = tpu.memref_squeeze %dma_start3A_88 : memref<1x80x128xi32, #tpu.memory_space<hbm>> -> memref<80x128xi32, #tpu.memory_space<hbm>>
    %dma_start3A_90 = arith.constant 0 : i32
    %dma_start3A_91 = tpu.memref_slice %dma_start3A_89[%dma_start3A_71, %dma_start3A_90] : memref<80x128xi32, #tpu.memory_space<hbm>> -> memref<1x128xi32, #tpu.memory_space<hbm>>
    %dma_start3A_92 = tpu.memref_squeeze %dma_start3A_91 : memref<1x128xi32, #tpu.memory_space<hbm>> -> memref<128xi32, #tpu.memory_space<hbm>>
    tpu.enqueue_dma source(%dma_start3A_92 : memref<128xi32, #tpu.memory_space<hbm>>) target(%dma_start3A_85 : memref<128xi32, #tpu.memory_space<vmem>>) target_semaphore(%arg14 : memref<!tpu.dma_semaphore, #tpu.memory_space<semaphore_mem>>)
    %dma_wait3A = arith.constant 0 : i32
    %dma_wait3A_93 = arith.constant 0 : i32
    %dma_wait3A_94 = arith.constant 0 : i32
    %dma_wait3A_95 = tpu.memref_slice %arg6[%dma_wait3A_93, %dma_wait3A_94] : memref<2x128xi32, #tpu.memory_space<vmem>> -> memref<1x128xi32, #tpu.memory_space<vmem>>
    %dma_wait3A_96 = tpu.memref_squeeze %dma_wait3A_95 : memref<1x128xi32, #tpu.memory_space<vmem>> -> memref<128xi32, #tpu.memory_space<vmem>>
    %dma_wait3A_97 = arith.constant 0 : i32
    %dma_wait3A_98 = arith.constant 0 : i32
    %dma_wait3A_99 = tpu.memref_slice %arg2[%add3A, %dma_wait3A_97, %dma_wait3A_98] : memref<32x80x128xi32, #tpu.memory_space<hbm>> -> memref<1x80x128xi32, #tpu.memory_space<hbm>>
    %dma_wait3A_100 = tpu.memref_squeeze %dma_wait3A_99 : memref<1x80x128xi32, #tpu.memory_space<hbm>> -> memref<80x128xi32, #tpu.memory_space<hbm>>
    %dma_wait3A_101 = arith.constant 0 : i32
    %dma_wait3A_102 = tpu.memref_slice %dma_wait3A_100[%dma_wait3A, %dma_wait3A_101] : memref<80x128xi32, #tpu.memory_space<hbm>> -> memref<1x128xi32, #tpu.memory_space<hbm>>
    %dma_wait3A_103 = tpu.memref_squeeze %dma_wait3A_102 : memref<1x128xi32, #tpu.memory_space<hbm>> -> memref<128xi32, #tpu.memory_space<hbm>>
    %dma_wait3A_104 = arith.constant 0 : i32
    %dma_wait3A_105 = tpu.memref_slice %arg6[%dma_wait3A_93, %dma_wait3A_104] : memref<2x128xi32, #tpu.memory_space<vmem>> -> memref<1x128xi32, #tpu.memory_space<vmem>>
    %dma_wait3A_106 = tpu.memref_squeeze %dma_wait3A_105 : memref<1x128xi32, #tpu.memory_space<vmem>> -> memref<128xi32, #tpu.memory_space<vmem>>
    %dma_wait3A_107 = arith.constant 0 : i32
    %dma_wait3A_108 = arith.constant 0 : i32
    %dma_wait3A_109 = tpu.memref_slice %arg2[%add3A, %dma_wait3A_107, %dma_wait3A_108] : memref<32x80x128xi32, #tpu.memory_space<hbm>> -> memref<1x80x128xi32, #tpu.memory_space<hbm>>
    %dma_wait3A_110 = tpu.memref_squeeze %dma_wait3A_109 : memref<1x80x128xi32, #tpu.memory_space<hbm>> -> memref<80x128xi32, #tpu.memory_space<hbm>>
    %dma_wait3A_111 = arith.constant 0 : i32
    %dma_wait3A_112 = tpu.memref_slice %dma_wait3A_110[%dma_wait3A, %dma_wait3A_111] : memref<80x128xi32, #tpu.memory_space<hbm>> -> memref<1x128xi32, #tpu.memory_space<hbm>>
    %dma_wait3A_113 = tpu.memref_squeeze %dma_wait3A_112 : memref<1x128xi32, #tpu.memory_space<hbm>> -> memref<128xi32, #tpu.memory_space<hbm>>
    tpu.wait_dma2 semaphore(%arg14 : memref<!tpu.dma_semaphore, #tpu.memory_space<semaphore_mem>>) src(%dma_wait3A_113 : memref<128xi32, #tpu.memory_space<hbm>>) dst(%dma_wait3A_106 : memref<128xi32, #tpu.memory_space<vmem>>)
    %dma_wait3A_114 = arith.constant 0 : i32
    %dma_wait3A_115 = arith.constant 0 : i32
    %dma_wait3A_116 = arith.constant 0 : i32
    %dma_wait3A_117 = tpu.memref_slice %arg7[%dma_wait3A_115, %dma_wait3A_116] : memref<2x128xi32, #tpu.memory_space<vmem>> -> memref<1x128xi32, #tpu.memory_space<vmem>>
    %dma_wait3A_118 = tpu.memref_squeeze %dma_wait3A_117 : memref<1x128xi32, #tpu.memory_space<vmem>> -> memref<128xi32, #tpu.memory_space<vmem>>
    %dma_wait3A_119 = arith.constant 0 : i32
    %dma_wait3A_120 = arith.constant 0 : i32
    %dma_wait3A_121 = tpu.memref_slice %arg3[%add3A, %dma_wait3A_119, %dma_wait3A_120] : memref<32x80x128xi32, #tpu.memory_space<hbm>> -> memref<1x80x128xi32, #tpu.memory_space<hbm>>
    %dma_wait3A_122 = tpu.memref_squeeze %dma_wait3A_121 : memref<1x80x128xi32, #tpu.memory_space<hbm>> -> memref<80x128xi32, #tpu.memory_space<hbm>>
    %dma_wait3A_123 = arith.constant 0 : i32
    %dma_wait3A_124 = tpu.memref_slice %dma_wait3A_122[%dma_wait3A_114, %dma_wait3A_123] : memref<80x128xi32, #tpu.memory_space<hbm>> -> memref<1x128xi32, #tpu.memory_space<hbm>>
    %dma_wait3A_125 = tpu.memref_squeeze %dma_wait3A_124 : memref<1x128xi32, #tpu.memory_space<hbm>> -> memref<128xi32, #tpu.memory_space<hbm>>
    %dma_wait3A_126 = arith.constant 0 : i32
    %dma_wait3A_127 = tpu.memref_slice %arg7[%dma_wait3A_115, %dma_wait3A_126] : memref<2x128xi32, #tpu.memory_space<vmem>> -> memref<1x128xi32, #tpu.memory_space<vmem>>
    %dma_wait3A_128 = tpu.memref_squeeze %dma_wait3A_127 : memref<1x128xi32, #tpu.memory_space<vmem>> -> memref<128xi32, #tpu.memory_space<vmem>>
    %dma_wait3A_129 = arith.constant 0 : i32
    %dma_wait3A_130 = arith.constant 0 : i32
    %dma_wait3A_131 = tpu.memref_slice %arg3[%add3A, %dma_wait3A_129, %dma_wait3A_130] : memref<32x80x128xi32, #tpu.memory_space<hbm>> -> memref<1x80x128xi32, #tpu.memory_space<hbm>>
    %dma_wait3A_132 = tpu.memref_squeeze %dma_wait3A_131 : memref<1x80x128xi32, #tpu.memory_space<hbm>> -> memref<80x128xi32, #tpu.memory_space<hbm>>
    %dma_wait3A_133 = arith.constant 0 : i32
    %dma_wait3A_134 = tpu.memref_slice %dma_wait3A_132[%dma_wait3A_114, %dma_wait3A_133] : memref<80x128xi32, #tpu.memory_space<hbm>> -> memref<1x128xi32, #tpu.memory_space<hbm>>
    %dma_wait3A_135 = tpu.memref_squeeze %dma_wait3A_134 : memref<1x128xi32, #tpu.memory_space<hbm>> -> memref<128xi32, #tpu.memory_space<hbm>>
    tpu.wait_dma2 semaphore(%arg14 : memref<!tpu.dma_semaphore, #tpu.memory_space<semaphore_mem>>) src(%dma_wait3A_135 : memref<128xi32, #tpu.memory_space<hbm>>) dst(%dma_wait3A_128 : memref<128xi32, #tpu.memory_space<vmem>>)
    %dma_start3A_136 = arith.constant 0 : i32
    %dma_start3A_137 = arith.constant 0 : i32
    %dma_start3A_138 = arith.constant 0 : i32
    %dma_start3A_139 = arith.constant 0 : i32
    %dma_start3A_140 = tpu.memref_slice %arg8[%dma_start3A_137, %dma_start3A_138, %dma_start3A_139] : memref<2x128x64xi32, #tpu.memory_space<vmem>> -> memref<1x128x64xi32, #tpu.memory_space<vmem>>
    %dma_start3A_141 = tpu.memref_squeeze %dma_start3A_140 : memref<1x128x64xi32, #tpu.memory_space<vmem>> -> memref<128x64xi32, #tpu.memory_space<vmem>>
    %dma_start3A_142 = arith.constant 0 : i32
    %dma_start3A_143 = tpu.memref_slice %arg6[%dma_start3A_136, %dma_start3A_142] : memref<2x128xi32, #tpu.memory_space<vmem>> -> memref<1x128xi32, #tpu.memory_space<vmem>>
    %dma_start3A_144 = tpu.memref_squeeze %dma_start3A_143 : memref<1x128xi32, #tpu.memory_space<vmem>> -> memref<128xi32, #tpu.memory_space<vmem>>
    %dma_start3A_145 = arith.constant 0 : i32
    %dma_start3A_146 = arith.constant 0 : i32
    %dma_start3A_147 = tpu.memref_slice %arg11[%dma_start3A_145, %dma_start3A_146] : memref<10000x64xi32, #tpu.memory_space<vmem_shared>> -> memref<10000x64xi32, #tpu.memory_space<vmem_shared>>
    tpu.enqueue_indirect_dma source(%dma_start3A_147 : memref<10000x64xi32, #tpu.memory_space<vmem_shared>>) target(%dma_start3A_141 : memref<128x64xi32, #tpu.memory_space<vmem>>) offsets(%dma_start3A_144 : memref<128xi32, #tpu.memory_space<vmem>>) semaphore(%arg12 : memref<!tpu.dma_semaphore, #tpu.memory_space<semaphore_mem>>)
    %dma_start3A_148 = arith.constant 0 : i32
    %dma_start3A_149 = arith.constant 0 : i32
    %dma_start3A_150 = arith.constant 0 : i32
    %dma_start3A_151 = arith.constant 0 : i32
    %dma_start3A_152 = tpu.memref_slice %arg9[%dma_start3A_149, %dma_start3A_150, %dma_start3A_151] : memref<2x128x64xi32, #tpu.memory_space<vmem>> -> memref<1x128x64xi32, #tpu.memory_space<vmem>>
    %dma_start3A_153 = tpu.memref_squeeze %dma_start3A_152 : memref<1x128x64xi32, #tpu.memory_space<vmem>> -> memref<128x64xi32, #tpu.memory_space<vmem>>
    %dma_start3A_154 = arith.constant 0 : i32
    %dma_start3A_155 = tpu.memref_slice %arg7[%dma_start3A_148, %dma_start3A_154] : memref<2x128xi32, #tpu.memory_space<vmem>> -> memref<1x128xi32, #tpu.memory_space<vmem>>
    %dma_start3A_156 = tpu.memref_squeeze %dma_start3A_155 : memref<1x128xi32, #tpu.memory_space<vmem>> -> memref<128xi32, #tpu.memory_space<vmem>>
    %dma_start3A_157 = arith.constant 0 : i32
    %dma_start3A_158 = arith.constant 0 : i32
    %dma_start3A_159 = tpu.memref_slice %arg11[%dma_start3A_157, %dma_start3A_158] : memref<10000x64xi32, #tpu.memory_space<vmem_shared>> -> memref<10000x64xi32, #tpu.memory_space<vmem_shared>>
    tpu.enqueue_indirect_dma source(%dma_start3A_159 : memref<10000x64xi32, #tpu.memory_space<vmem_shared>>) target(%dma_start3A_153 : memref<128x64xi32, #tpu.memory_space<vmem>>) offsets(%dma_start3A_156 : memref<128xi32, #tpu.memory_space<vmem>>) semaphore(%arg12 : memref<!tpu.dma_semaphore, #tpu.memory_space<semaphore_mem>>)
    %dma_wait3A_160 = arith.constant 1 : i32
    %dma_wait3A_161 = arith.constant 1 : i32
    %dma_wait3A_162 = arith.constant 0 : i32
    %dma_wait3A_163 = tpu.memref_slice %arg6[%dma_wait3A_161, %dma_wait3A_162] : memref<2x128xi32, #tpu.memory_space<vmem>> -> memref<1x128xi32, #tpu.memory_space<vmem>>
    %dma_wait3A_164 = tpu.memref_squeeze %dma_wait3A_163 : memref<1x128xi32, #tpu.memory_space<vmem>> -> memref<128xi32, #tpu.memory_space<vmem>>
    %dma_wait3A_165 = arith.constant 0 : i32
    %dma_wait3A_166 = arith.constant 0 : i32
    %dma_wait3A_167 = tpu.memref_slice %arg2[%add3A, %dma_wait3A_165, %dma_wait3A_166] : memref<32x80x128xi32, #tpu.memory_space<hbm>> -> memref<1x80x128xi32, #tpu.memory_space<hbm>>
    %dma_wait3A_168 = tpu.memref_squeeze %dma_wait3A_167 : memref<1x80x128xi32, #tpu.memory_space<hbm>> -> memref<80x128xi32, #tpu.memory_space<hbm>>
    %dma_wait3A_169 = arith.constant 0 : i32
    %dma_wait3A_170 = tpu.memref_slice %dma_wait3A_168[%dma_wait3A_160, %dma_wait3A_169] : memref<80x128xi32, #tpu.memory_space<hbm>> -> memref<1x128xi32, #tpu.memory_space<hbm>>
    %dma_wait3A_171 = tpu.memref_squeeze %dma_wait3A_170 : memref<1x128xi32, #tpu.memory_space<hbm>> -> memref<128xi32, #tpu.memory_space<hbm>>
    %dma_wait3A_172 = arith.constant 0 : i32
    %dma_wait3A_173 = tpu.memref_slice %arg6[%dma_wait3A_161, %dma_wait3A_172] : memref<2x128xi32, #tpu.memory_space<vmem>> -> memref<1x128xi32, #tpu.memory_space<vmem>>
    %dma_wait3A_174 = tpu.memref_squeeze %dma_wait3A_173 : memref<1x128xi32, #tpu.memory_space<vmem>> -> memref<128xi32, #tpu.memory_space<vmem>>
    %dma_wait3A_175 = arith.constant 0 : i32
    %dma_wait3A_176 = arith.constant 0 : i32
    %dma_wait3A_177 = tpu.memref_slice %arg2[%add3A, %dma_wait3A_175, %dma_wait3A_176] : memref<32x80x128xi32, #tpu.memory_space<hbm>> -> memref<1x80x128xi32, #tpu.memory_space<hbm>>
    %dma_wait3A_178 = tpu.memref_squeeze %dma_wait3A_177 : memref<1x80x128xi32, #tpu.memory_space<hbm>> -> memref<80x128xi32, #tpu.memory_space<hbm>>
    %dma_wait3A_179 = arith.constant 0 : i32
    %dma_wait3A_180 = tpu.memref_slice %dma_wait3A_178[%dma_wait3A_160, %dma_wait3A_179] : memref<80x128xi32, #tpu.memory_space<hbm>> -> memref<1x128xi32, #tpu.memory_space<hbm>>
    %dma_wait3A_181 = tpu.memref_squeeze %dma_wait3A_180 : memref<1x128xi32, #tpu.memory_space<hbm>> -> memref<128xi32, #tpu.memory_space<hbm>>
    tpu.wait_dma2 semaphore(%arg14 : memref<!tpu.dma_semaphore, #tpu.memory_space<semaphore_mem>>) src(%dma_wait3A_181 : memref<128xi32, #tpu.memory_space<hbm>>) dst(%dma_wait3A_174 : memref<128xi32, #tpu.memory_space<vmem>>)
    %dma_wait3A_182 = arith.constant 1 : i32
    %dma_wait3A_183 = arith.constant 1 : i32
    %dma_wait3A_184 = arith.constant 0 : i32
    %dma_wait3A_185 = tpu.memref_slice %arg7[%dma_wait3A_183, %dma_wait3A_184] : memref<2x128xi32, #tpu.memory_space<vmem>> -> memref<1x128xi32, #tpu.memory_space<vmem>>
    %dma_wait3A_186 = tpu.memref_squeeze %dma_wait3A_185 : memref<1x128xi32, #tpu.memory_space<vmem>> -> memref<128xi32, #tpu.memory_space<vmem>>
    %dma_wait3A_187 = arith.constant 0 : i32
    %dma_wait3A_188 = arith.constant 0 : i32
    %dma_wait3A_189 = tpu.memref_slice %arg3[%add3A, %dma_wait3A_187, %dma_wait3A_188] : memref<32x80x128xi32, #tpu.memory_space<hbm>> -> memref<1x80x128xi32, #tpu.memory_space<hbm>>
    %dma_wait3A_190 = tpu.memref_squeeze %dma_wait3A_189 : memref<1x80x128xi32, #tpu.memory_space<hbm>> -> memref<80x128xi32, #tpu.memory_space<hbm>>
    %dma_wait3A_191 = arith.constant 0 : i32
    %dma_wait3A_192 = tpu.memref_slice %dma_wait3A_190[%dma_wait3A_182, %dma_wait3A_191] : memref<80x128xi32, #tpu.memory_space<hbm>> -> memref<1x128xi32, #tpu.memory_space<hbm>>
    %dma_wait3A_193 = tpu.memref_squeeze %dma_wait3A_192 : memref<1x128xi32, #tpu.memory_space<hbm>> -> memref<128xi32, #tpu.memory_space<hbm>>
    %dma_wait3A_194 = arith.constant 0 : i32
    %dma_wait3A_195 = tpu.memref_slice %arg7[%dma_wait3A_183, %dma_wait3A_194] : memref<2x128xi32, #tpu.memory_space<vmem>> -> memref<1x128xi32, #tpu.memory_space<vmem>>
    %dma_wait3A_196 = tpu.memref_squeeze %dma_wait3A_195 : memref<1x128xi32, #tpu.memory_space<vmem>> -> memref<128xi32, #tpu.memory_space<vmem>>
    %dma_wait3A_197 = arith.constant 0 : i32
    %dma_wait3A_198 = arith.constant 0 : i32
    %dma_wait3A_199 = tpu.memref_slice %arg3[%add3A, %dma_wait3A_197, %dma_wait3A_198] : memref<32x80x128xi32, #tpu.memory_space<hbm>> -> memref<1x80x128xi32, #tpu.memory_space<hbm>>
    %dma_wait3A_200 = tpu.memref_squeeze %dma_wait3A_199 : memref<1x80x128xi32, #tpu.memory_space<hbm>> -> memref<80x128xi32, #tpu.memory_space<hbm>>
    %dma_wait3A_201 = arith.constant 0 : i32
    %dma_wait3A_202 = tpu.memref_slice %dma_wait3A_200[%dma_wait3A_182, %dma_wait3A_201] : memref<80x128xi32, #tpu.memory_space<hbm>> -> memref<1x128xi32, #tpu.memory_space<hbm>>
    %dma_wait3A_203 = tpu.memref_squeeze %dma_wait3A_202 : memref<1x128xi32, #tpu.memory_space<hbm>> -> memref<128xi32, #tpu.memory_space<hbm>>
    tpu.wait_dma2 semaphore(%arg14 : memref<!tpu.dma_semaphore, #tpu.memory_space<semaphore_mem>>) src(%dma_wait3A_203 : memref<128xi32, #tpu.memory_space<hbm>>) dst(%dma_wait3A_196 : memref<128xi32, #tpu.memory_space<vmem>>)
    %dma_start3A_204 = arith.constant 1 : i32
    %dma_start3A_205 = arith.constant 1 : i32
    %dma_start3A_206 = arith.constant 0 : i32
    %dma_start3A_207 = arith.constant 0 : i32
    %dma_start3A_208 = tpu.memref_slice %arg8[%dma_start3A_205, %dma_start3A_206, %dma_start3A_207] : memref<2x128x64xi32, #tpu.memory_space<vmem>> -> memref<1x128x64xi32, #tpu.memory_space<vmem>>
    %dma_start3A_209 = tpu.memref_squeeze %dma_start3A_208 : memref<1x128x64xi32, #tpu.memory_space<vmem>> -> memref<128x64xi32, #tpu.memory_space<vmem>>
    %dma_start3A_210 = arith.constant 0 : i32
    %dma_start3A_211 = tpu.memref_slice %arg6[%dma_start3A_204, %dma_start3A_210] : memref<2x128xi32, #tpu.memory_space<vmem>> -> memref<1x128xi32, #tpu.memory_space<vmem>>
    %dma_start3A_212 = tpu.memref_squeeze %dma_start3A_211 : memref<1x128xi32, #tpu.memory_space<vmem>> -> memref<128xi32, #tpu.memory_space<vmem>>
    %dma_start3A_213 = arith.constant 0 : i32
    %dma_start3A_214 = arith.constant 0 : i32
    %dma_start3A_215 = tpu.memref_slice %arg11[%dma_start3A_213, %dma_start3A_214] : memref<10000x64xi32, #tpu.memory_space<vmem_shared>> -> memref<10000x64xi32, #tpu.memory_space<vmem_shared>>
    tpu.enqueue_indirect_dma source(%dma_start3A_215 : memref<10000x64xi32, #tpu.memory_space<vmem_shared>>) target(%dma_start3A_209 : memref<128x64xi32, #tpu.memory_space<vmem>>) offsets(%dma_start3A_212 : memref<128xi32, #tpu.memory_space<vmem>>) semaphore(%arg13 : memref<!tpu.dma_semaphore, #tpu.memory_space<semaphore_mem>>)
    %dma_start3A_216 = arith.constant 1 : i32
    %dma_start3A_217 = arith.constant 1 : i32
    %dma_start3A_218 = arith.constant 0 : i32
    %dma_start3A_219 = arith.constant 0 : i32
    %dma_start3A_220 = tpu.memref_slice %arg9[%dma_start3A_217, %dma_start3A_218, %dma_start3A_219] : memref<2x128x64xi32, #tpu.memory_space<vmem>> -> memref<1x128x64xi32, #tpu.memory_space<vmem>>
    %dma_start3A_221 = tpu.memref_squeeze %dma_start3A_220 : memref<1x128x64xi32, #tpu.memory_space<vmem>> -> memref<128x64xi32, #tpu.memory_space<vmem>>
    %dma_start3A_222 = arith.constant 0 : i32
    %dma_start3A_223 = tpu.memref_slice %arg7[%dma_start3A_216, %dma_start3A_222] : memref<2x128xi32, #tpu.memory_space<vmem>> -> memref<1x128xi32, #tpu.memory_space<vmem>>
    %dma_start3A_224 = tpu.memref_squeeze %dma_start3A_223 : memref<1x128xi32, #tpu.memory_space<vmem>> -> memref<128xi32, #tpu.memory_space<vmem>>
    %dma_start3A_225 = arith.constant 0 : i32
    %dma_start3A_226 = arith.constant 0 : i32
    %dma_start3A_227 = tpu.memref_slice %arg11[%dma_start3A_225, %dma_start3A_226] : memref<10000x64xi32, #tpu.memory_space<vmem_shared>> -> memref<10000x64xi32, #tpu.memory_space<vmem_shared>>
    tpu.enqueue_indirect_dma source(%dma_start3A_227 : memref<10000x64xi32, #tpu.memory_space<vmem_shared>>) target(%dma_start3A_221 : memref<128x64xi32, #tpu.memory_space<vmem>>) offsets(%dma_start3A_224 : memref<128xi32, #tpu.memory_space<vmem>>) semaphore(%arg13 : memref<!tpu.dma_semaphore, #tpu.memory_space<semaphore_mem>>)
    %broadcast_in_dim3A = arith.constant 0.000000e+00 : f32
    %broadcast_in_dim3A_228 = vector.broadcast %broadcast_in_dim3A : f32 to vector<16xf32>
    %scan3A_229 = arith.constant 0 : i32
    %scan3A_230 = arith.constant 40 : i32
    %scan3A_231 = arith.addi %scan3A_229, %scan3A_230 : i32
    %scan3A_232 = arith.constant 1 : i32
    %scan3A_233 = scf.for %scan3A_236 = %scan3A_229 to %scan3A_231 step %scan3A_232 iter_args(%scan3A_237 = %broadcast_in_dim3A_228) -> (vector<16xf32>)  : i32 {
      %mul3A_238 = arith.constant 2 : i32
      %mul3A_239 = arith.muli %scan3A_236, %mul3A_238 : i32
      %add3A_240 = arith.constant 0 : i32
      %add3A_241 = arith.addi %add3A_240, %mul3A_239 : i32
      %add3A_242 = arith.constant 0 : i32
      %add3A_243 = arith.addi %add3A_241, %add3A_242 : i32
      %add3A_244 = arith.constant 2 : i32
      %add3A_245 = arith.addi %add3A_243, %add3A_244 : i32
      %dma_wait3A_246 = arith.constant 0 : i32
      %dma_wait3A_247 = arith.constant 0 : i32
      %dma_wait3A_248 = arith.constant 0 : i32
      %dma_wait3A_249 = arith.constant 0 : i32
      %dma_wait3A_250 = tpu.memref_slice %arg8[%dma_wait3A_247, %dma_wait3A_248, %dma_wait3A_249] : memref<2x128x64xi32, #tpu.memory_space<vmem>> -> memref<1x128x64xi32, #tpu.memory_space<vmem>>
      %dma_wait3A_251 = tpu.memref_squeeze %dma_wait3A_250 : memref<1x128x64xi32, #tpu.memory_space<vmem>> -> memref<128x64xi32, #tpu.memory_space<vmem>>
      %dma_wait3A_252 = arith.constant 0 : i32
      %dma_wait3A_253 = tpu.memref_slice %arg6[%dma_wait3A_246, %dma_wait3A_252] : memref<2x128xi32, #tpu.memory_space<vmem>> -> memref<1x128xi32, #tpu.memory_space<vmem>>
      %dma_wait3A_254 = tpu.memref_squeeze %dma_wait3A_253 : memref<1x128xi32, #tpu.memory_space<vmem>> -> memref<128xi32, #tpu.memory_space<vmem>>
      %dma_wait3A_255 = arith.constant 0 : i32
      %dma_wait3A_256 = arith.constant 0 : i32
      %dma_wait3A_257 = tpu.memref_slice %arg11[%dma_wait3A_255, %dma_wait3A_256] : memref<10000x64xi32, #tpu.memory_space<vmem_shared>> -> memref<10000x64xi32, #tpu.memory_space<vmem_shared>>
      tpu.wait_indirect_dma semaphore(%arg12 : memref<!tpu.dma_semaphore, #tpu.memory_space<semaphore_mem>>) src(%dma_wait3A_257 : memref<10000x64xi32, #tpu.memory_space<vmem_shared>>) dst(%dma_wait3A_251 : memref<128x64xi32, #tpu.memory_space<vmem>>)
      %dma_wait3A_258 = arith.constant 0 : i32
      %dma_wait3A_259 = arith.constant 0 : i32
      %dma_wait3A_260 = arith.constant 0 : i32
      %dma_wait3A_261 = arith.constant 0 : i32
      %dma_wait3A_262 = tpu.memref_slice %arg9[%dma_wait3A_259, %dma_wait3A_260, %dma_wait3A_261] : memref<2x128x64xi32, #tpu.memory_space<vmem>> -> memref<1x128x64xi32, #tpu.memory_space<vmem>>
      %dma_wait3A_263 = tpu.memref_squeeze %dma_wait3A_262 : memref<1x128x64xi32, #tpu.memory_space<vmem>> -> memref<128x64xi32, #tpu.memory_space<vmem>>
      %dma_wait3A_264 = arith.constant 0 : i32
      %dma_wait3A_265 = tpu.memref_slice %arg7[%dma_wait3A_258, %dma_wait3A_264] : memref<2x128xi32, #tpu.memory_space<vmem>> -> memref<1x128xi32, #tpu.memory_space<vmem>>
      %dma_wait3A_266 = tpu.memref_squeeze %dma_wait3A_265 : memref<1x128xi32, #tpu.memory_space<vmem>> -> memref<128xi32, #tpu.memory_space<vmem>>
      %dma_wait3A_267 = arith.constant 0 : i32
      %dma_wait3A_268 = arith.constant 0 : i32
      %dma_wait3A_269 = tpu.memref_slice %arg11[%dma_wait3A_267, %dma_wait3A_268] : memref<10000x64xi32, #tpu.memory_space<vmem_shared>> -> memref<10000x64xi32, #tpu.memory_space<vmem_shared>>
      tpu.wait_indirect_dma semaphore(%arg12 : memref<!tpu.dma_semaphore, #tpu.memory_space<semaphore_mem>>) src(%dma_wait3A_269 : memref<10000x64xi32, #tpu.memory_space<vmem_shared>>) dst(%dma_wait3A_263 : memref<128x64xi32, #tpu.memory_space<vmem>>)
      %lt3A = arith.constant 80 : i32
      %lt3A_270 = arith.cmpi slt, %add3A_245, %lt3A : i32
      %convert_element_type3A = arith.extui %lt3A_270 : i1 to i32
      %cond3A = arith.constant 0 : i32
      %cond3A_271 = arith.cmpi ne, %convert_element_type3A, %cond3A : i32
      scf.if %cond3A_271 {
        %dma_start3A_375 = arith.constant 0 : i32
        %dma_start3A_376 = arith.constant 0 : i32
        %dma_start3A_377 = tpu.memref_slice %arg6[%dma_start3A_375, %dma_start3A_376] : memref<2x128xi32, #tpu.memory_space<vmem>> -> memref<1x128xi32, #tpu.memory_space<vmem>>
        %dma_start3A_378 = tpu.memref_squeeze %dma_start3A_377 : memref<1x128xi32, #tpu.memory_space<vmem>> -> memref<128xi32, #tpu.memory_space<vmem>>
        %dma_start3A_379 = arith.constant 0 : i32
        %dma_start3A_380 = arith.constant 0 : i32
        %dma_start3A_381 = tpu.memref_slice %arg2[%add3A, %dma_start3A_379, %dma_start3A_380] : memref<32x80x128xi32, #tpu.memory_space<hbm>> -> memref<1x80x128xi32, #tpu.memory_space<hbm>>
        %dma_start3A_382 = tpu.memref_squeeze %dma_start3A_381 : memref<1x80x128xi32, #tpu.memory_space<hbm>> -> memref<80x128xi32, #tpu.memory_space<hbm>>
        %dma_start3A_383 = arith.constant 0 : i32
        %dma_start3A_384 = tpu.memref_slice %dma_start3A_382[%add3A_245, %dma_start3A_383] : memref<80x128xi32, #tpu.memory_space<hbm>> -> memref<1x128xi32, #tpu.memory_space<hbm>>
        %dma_start3A_385 = tpu.memref_squeeze %dma_start3A_384 : memref<1x128xi32, #tpu.memory_space<hbm>> -> memref<128xi32, #tpu.memory_space<hbm>>
        %dma_start3A_386 = arith.constant 0 : i32
        %dma_start3A_387 = tpu.memref_slice %arg6[%dma_start3A_375, %dma_start3A_386] : memref<2x128xi32, #tpu.memory_space<vmem>> -> memref<1x128xi32, #tpu.memory_space<vmem>>
        %dma_start3A_388 = tpu.memref_squeeze %dma_start3A_387 : memref<1x128xi32, #tpu.memory_space<vmem>> -> memref<128xi32, #tpu.memory_space<vmem>>
        %dma_start3A_389 = arith.constant 0 : i32
        %dma_start3A_390 = arith.constant 0 : i32
        %dma_start3A_391 = tpu.memref_slice %arg2[%add3A, %dma_start3A_389, %dma_start3A_390] : memref<32x80x128xi32, #tpu.memory_space<hbm>> -> memref<1x80x128xi32, #tpu.memory_space<hbm>>
        %dma_start3A_392 = tpu.memref_squeeze %dma_start3A_391 : memref<1x80x128xi32, #tpu.memory_space<hbm>> -> memref<80x128xi32, #tpu.memory_space<hbm>>
        %dma_start3A_393 = arith.constant 0 : i32
        %dma_start3A_394 = tpu.memref_slice %dma_start3A_392[%add3A_245, %dma_start3A_393] : memref<80x128xi32, #tpu.memory_space<hbm>> -> memref<1x128xi32, #tpu.memory_space<hbm>>
        %dma_start3A_395 = tpu.memref_squeeze %dma_start3A_394 : memref<1x128xi32, #tpu.memory_space<hbm>> -> memref<128xi32, #tpu.memory_space<hbm>>
        tpu.enqueue_dma source(%dma_start3A_395 : memref<128xi32, #tpu.memory_space<hbm>>) target(%dma_start3A_388 : memref<128xi32, #tpu.memory_space<vmem>>) target_semaphore(%arg14 : memref<!tpu.dma_semaphore, #tpu.memory_space<semaphore_mem>>)
        %dma_start3A_396 = arith.constant 0 : i32
        %dma_start3A_397 = arith.constant 0 : i32
        %dma_start3A_398 = tpu.memref_slice %arg7[%dma_start3A_396, %dma_start3A_397] : memref<2x128xi32, #tpu.memory_space<vmem>> -> memref<1x128xi32, #tpu.memory_space<vmem>>
        %dma_start3A_399 = tpu.memref_squeeze %dma_start3A_398 : memref<1x128xi32, #tpu.memory_space<vmem>> -> memref<128xi32, #tpu.memory_space<vmem>>
        %dma_start3A_400 = arith.constant 0 : i32
        %dma_start3A_401 = arith.constant 0 : i32
        %dma_start3A_402 = tpu.memref_slice %arg3[%add3A, %dma_start3A_400, %dma_start3A_401] : memref<32x80x128xi32, #tpu.memory_space<hbm>> -> memref<1x80x128xi32, #tpu.memory_space<hbm>>
        %dma_start3A_403 = tpu.memref_squeeze %dma_start3A_402 : memref<1x80x128xi32, #tpu.memory_space<hbm>> -> memref<80x128xi32, #tpu.memory_space<hbm>>
        %dma_start3A_404 = arith.constant 0 : i32
        %dma_start3A_405 = tpu.memref_slice %dma_start3A_403[%add3A_245, %dma_start3A_404] : memref<80x128xi32, #tpu.memory_space<hbm>> -> memref<1x128xi32, #tpu.memory_space<hbm>>
        %dma_start3A_406 = tpu.memref_squeeze %dma_start3A_405 : memref<1x128xi32, #tpu.memory_space<hbm>> -> memref<128xi32, #tpu.memory_space<hbm>>
        %dma_start3A_407 = arith.constant 0 : i32
        %dma_start3A_408 = tpu.memref_slice %arg7[%dma_start3A_396, %dma_start3A_407] : memref<2x128xi32, #tpu.memory_space<vmem>> -> memref<1x128xi32, #tpu.memory_space<vmem>>
        %dma_start3A_409 = tpu.memref_squeeze %dma_start3A_408 : memref<1x128xi32, #tpu.memory_space<vmem>> -> memref<128xi32, #tpu.memory_space<vmem>>
        %dma_start3A_410 = arith.constant 0 : i32
        %dma_start3A_411 = arith.constant 0 : i32
        %dma_start3A_412 = tpu.memref_slice %arg3[%add3A, %dma_start3A_410, %dma_start3A_411] : memref<32x80x128xi32, #tpu.memory_space<hbm>> -> memref<1x80x128xi32, #tpu.memory_space<hbm>>
        %dma_start3A_413 = tpu.memref_squeeze %dma_start3A_412 : memref<1x80x128xi32, #tpu.memory_space<hbm>> -> memref<80x128xi32, #tpu.memory_space<hbm>>
        %dma_start3A_414 = arith.constant 0 : i32
        %dma_start3A_415 = tpu.memref_slice %dma_start3A_413[%add3A_245, %dma_start3A_414] : memref<80x128xi32, #tpu.memory_space<hbm>> -> memref<1x128xi32, #tpu.memory_space<hbm>>
        %dma_start3A_416 = tpu.memref_squeeze %dma_start3A_415 : memref<1x128xi32, #tpu.memory_space<hbm>> -> memref<128xi32, #tpu.memory_space<hbm>>
        tpu.enqueue_dma source(%dma_start3A_416 : memref<128xi32, #tpu.memory_space<hbm>>) target(%dma_start3A_409 : memref<128xi32, #tpu.memory_space<vmem>>) target_semaphore(%arg14 : memref<!tpu.dma_semaphore, #tpu.memory_space<semaphore_mem>>)
      } else {
      }
      %broadcast_in_dim3A_272 = arith.constant 0.000000e+00 : f32
      %broadcast_in_dim3A_273 = vector.broadcast %broadcast_in_dim3A_272 : f32 to vector<16xf32>
      %broadcast_in_dim3A_274 = arith.constant 0.000000e+00 : f32
      %broadcast_in_dim3A_275 = vector.broadcast %broadcast_in_dim3A_274 : f32 to vector<16xf32>
      %broadcast_in_dim3A_276 = arith.constant 0.000000e+00 : f32
      %broadcast_in_dim3A_277 = vector.broadcast %broadcast_in_dim3A_276 : f32 to vector<16xf32>
      %broadcast_in_dim3A_278 = arith.constant 0.000000e+00 : f32
      %broadcast_in_dim3A_279 = vector.broadcast %broadcast_in_dim3A_278 : f32 to vector<16xf32>
      %broadcast_in_dim3A_280 = arith.constant 0.000000e+00 : f32
      %broadcast_in_dim3A_281 = vector.broadcast %broadcast_in_dim3A_280 : f32 to vector<16xf32>
      %broadcast_in_dim3A_282 = arith.constant 0.000000e+00 : f32
      %broadcast_in_dim3A_283 = vector.broadcast %broadcast_in_dim3A_282 : f32 to vector<16xf32>
      %broadcast_in_dim3A_284 = arith.constant 0.000000e+00 : f32
      %broadcast_in_dim3A_285 = vector.broadcast %broadcast_in_dim3A_284 : f32 to vector<16xf32>
      %broadcast_in_dim3A_286 = arith.constant 0.000000e+00 : f32
      %broadcast_in_dim3A_287 = vector.broadcast %broadcast_in_dim3A_286 : f32 to vector<16xf32>
      %scan3A_288 = arith.constant 0 : i32
      %scan3A_289 = arith.constant 128 : i32
      %scan3A_290 = arith.addi %scan3A_288, %scan3A_289 : i32
      %scan3A_291 = arith.constant 4 : i32
      %scan3A_292:8 = scf.for %scan3A_375 = %scan3A_288 to %scan3A_290 step %scan3A_291 iter_args(%scan3A_376 = %broadcast_in_dim3A_273, %scan3A_377 = %broadcast_in_dim3A_275, %scan3A_378 = %broadcast_in_dim3A_277, %scan3A_379 = %broadcast_in_dim3A_279, %scan3A_380 = %broadcast_in_dim3A_281, %scan3A_381 = %broadcast_in_dim3A_283, %scan3A_382 = %broadcast_in_dim3A_285, %scan3A_383 = %broadcast_in_dim3A_287) -> (vector<16xf32>, vector<16xf32>, vector<16xf32>, vector<16xf32>, vector<16xf32>, vector<16xf32>, vector<16xf32>, vector<16xf32>)  : i32 {
        %broadcast_in_dim3A_384 = arith.constant -65536 : i32
        %broadcast_in_dim3A_385 = vector.broadcast %broadcast_in_dim3A_384 : i32 to vector<16xi32>
        %get3A = arith.constant 0 : i32
        %get3A_386 = arith.index_cast %get3A : i32 to index
        %get3A_387 = arith.index_cast %scan3A_375 : i32 to index
        %get3A_388 = arith.constant 0 : index
        %get3A_389 = tpu.vector_load %arg8[%get3A_386, %get3A_387, %get3A_388] {strides = array<i32>} : memref<2x128x64xi32, #tpu.memory_space<vmem>>, vector<16xi32>,
        %get3A_390 = arith.constant 0 : i32
        %get3A_391 = arith.index_cast %get3A_390 : i32 to index
        %get3A_392 = arith.index_cast %scan3A_375 : i32 to index
        %get3A_393 = arith.constant 0 : index
        %get3A_394 = tpu.vector_load %arg9[%get3A_391, %get3A_392, %get3A_393] {strides = array<i32>} : memref<2x128x64xi32, #tpu.memory_space<vmem>>, vector<16xi32>,
        %bitcast3A = vector.bitcast %get3A_389 : vector<16xi32> to vector<32xbf16>
        %bitcast3A_395 = vector.bitcast %get3A_394 : vector<16xi32> to vector<32xbf16>
        %sub3A = arith.subf %bitcast3A, %bitcast3A_395 : vector<32xbf16>
        %bitcast3A_396 = vector.bitcast %sub3A : vector<32xbf16> to vector<16xi32>
        %and3A = arith.andi %bitcast3A_396, %broadcast_in_dim3A_385 : vector<16xi32>
        %bitcast_convert_type3A = tpu.bitcast %and3A : vector<16xi32> -> vector<16xf32>
        %shift_left3A = arith.constant 16 : i32
        %shift_left3A_397 = vector.broadcast %shift_left3A : i32 to vector<16xi32>
        %shift_left3A_398 = arith.shli %bitcast3A_396, %shift_left3A_397 : vector<16xi32>
        %bitcast_convert_type3A_399 = tpu.bitcast %shift_left3A_398 : vector<16xi32> -> vector<16xf32>
        %mul3A_400 = arith.mulf %bitcast_convert_type3A, %bitcast_convert_type3A : vector<16xf32>
        %add3A_401 = arith.addf %scan3A_376, %mul3A_400 : vector<16xf32>
        %mul3A_402 = arith.mulf %bitcast_convert_type3A_399, %bitcast_convert_type3A_399 : vector<16xf32>
        %add3A_403 = arith.addf %scan3A_377, %mul3A_402 : vector<16xf32>
        %get3A_404 = arith.constant 0 : i32
        %get3A_405 = arith.index_cast %get3A_404 : i32 to index
        %get3A_406 = arith.index_cast %scan3A_375 : i32 to index
        %get3A_407 = arith.constant 16 : index
        %get3A_408 = tpu.vector_load %arg8[%get3A_405, %get3A_406, %get3A_407] {strides = array<i32>} : memref<2x128x64xi32, #tpu.memory_space<vmem>>, vector<16xi32>,
        %get3A_409 = arith.constant 0 : i32
        %get3A_410 = arith.index_cast %get3A_409 : i32 to index
        %get3A_411 = arith.index_cast %scan3A_375 : i32 to index
        %get3A_412 = arith.constant 16 : index
        %get3A_413 = tpu.vector_load %arg9[%get3A_410, %get3A_411, %get3A_412] {strides = array<i32>} : memref<2x128x64xi32, #tpu.memory_space<vmem>>, vector<16xi32>,
        %bitcast3A_414 = vector.bitcast %get3A_408 : vector<16xi32> to vector<32xbf16>
        %bitcast3A_415 = vector.bitcast %get3A_413 : vector<16xi32> to vector<32xbf16>
        %sub3A_416 = arith.subf %bitcast3A_414, %bitcast3A_415 : vector<32xbf16>
        %bitcast3A_417 = vector.bitcast %sub3A_416 : vector<32xbf16> to vector<16xi32>
        %and3A_418 = arith.andi %bitcast3A_417, %broadcast_in_dim3A_385 : vector<16xi32>
        %bitcast_convert_type3A_419 = tpu.bitcast %and3A_418 : vector<16xi32> -> vector<16xf32>
        %shift_left3A_420 = arith.constant 16 : i32
        %shift_left3A_421 = vector.broadcast %shift_left3A_420 : i32 to vector<16xi32>
        %shift_left3A_422 = arith.shli %bitcast3A_417, %shift_left3A_421 : vector<16xi32>
        %bitcast_convert_type3A_423 = tpu.bitcast %shift_left3A_422 : vector<16xi32> -> vector<16xf32>
        %mul3A_424 = arith.mulf %bitcast_convert_type3A_419, %bitcast_convert_type3A_419 : vector<16xf32>
        %add3A_425 = arith.addf %scan3A_378, %mul3A_424 : vector<16xf32>
        %mul3A_426 = arith.mulf %bitcast_convert_type3A_423, %bitcast_convert_type3A_423 : vector<16xf32>
        %add3A_427 = arith.addf %scan3A_379, %mul3A_426 : vector<16xf32>
        %get3A_428 = arith.constant 0 : i32
        %get3A_429 = arith.index_cast %get3A_428 : i32 to index
        %get3A_430 = arith.index_cast %scan3A_375 : i32 to index
        %get3A_431 = arith.constant 32 : index
        %get3A_432 = tpu.vector_load %arg8[%get3A_429, %get3A_430, %get3A_431] {strides = array<i32>} : memref<2x128x64xi32, #tpu.memory_space<vmem>>, vector<16xi32>,
        %get3A_433 = arith.constant 0 : i32
        %get3A_434 = arith.index_cast %get3A_433 : i32 to index
        %get3A_435 = arith.index_cast %scan3A_375 : i32 to index
        %get3A_436 = arith.constant 32 : index
        %get3A_437 = tpu.vector_load %arg9[%get3A_434, %get3A_435, %get3A_436] {strides = array<i32>} : memref<2x128x64xi32, #tpu.memory_space<vmem>>, vector<16xi32>,
        %bitcast3A_438 = vector.bitcast %get3A_432 : vector<16xi32> to vector<32xbf16>
        %bitcast3A_439 = vector.bitcast %get3A_437 : vector<16xi32> to vector<32xbf16>
        %sub3A_440 = arith.subf %bitcast3A_438, %bitcast3A_439 : vector<32xbf16>
        %bitcast3A_441 = vector.bitcast %sub3A_440 : vector<32xbf16> to vector<16xi32>
        %and3A_442 = arith.andi %bitcast3A_441, %broadcast_in_dim3A_385 : vector<16xi32>
        %bitcast_convert_type3A_443 = tpu.bitcast %and3A_442 : vector<16xi32> -> vector<16xf32>
        %shift_left3A_444 = arith.constant 16 : i32
        %shift_left3A_445 = vector.broadcast %shift_left3A_444 : i32 to vector<16xi32>
        %shift_left3A_446 = arith.shli %bitcast3A_441, %shift_left3A_445 : vector<16xi32>
        %bitcast_convert_type3A_447 = tpu.bitcast %shift_left3A_446 : vector<16xi32> -> vector<16xf32>
        %mul3A_448 = arith.mulf %bitcast_convert_type3A_443, %bitcast_convert_type3A_443 : vector<16xf32>
        %add3A_449 = arith.addf %scan3A_380, %mul3A_448 : vector<16xf32>
        %mul3A_450 = arith.mulf %bitcast_convert_type3A_447, %bitcast_convert_type3A_447 : vector<16xf32>
        %add3A_451 = arith.addf %scan3A_381, %mul3A_450 : vector<16xf32>
        %get3A_452 = arith.constant 0 : i32
        %get3A_453 = arith.index_cast %get3A_452 : i32 to index
        %get3A_454 = arith.index_cast %scan3A_375 : i32 to index
        %get3A_455 = arith.constant 48 : index
        %get3A_456 = tpu.vector_load %arg8[%get3A_453, %get3A_454, %get3A_455] {strides = array<i32>} : memref<2x128x64xi32, #tpu.memory_space<vmem>>, vector<16xi32>,
        %get3A_457 = arith.constant 0 : i32
        %get3A_458 = arith.index_cast %get3A_457 : i32 to index
        %get3A_459 = arith.index_cast %scan3A_375 : i32 to index
        %get3A_460 = arith.constant 48 : index
        %get3A_461 = tpu.vector_load %arg9[%get3A_458, %get3A_459, %get3A_460] {strides = array<i32>} : memref<2x128x64xi32, #tpu.memory_space<vmem>>, vector<16xi32>,
        %bitcast3A_462 = vector.bitcast %get3A_456 : vector<16xi32> to vector<32xbf16>
        %bitcast3A_463 = vector.bitcast %get3A_461 : vector<16xi32> to vector<32xbf16>
        %sub3A_464 = arith.subf %bitcast3A_462, %bitcast3A_463 : vector<32xbf16>
        %bitcast3A_465 = vector.bitcast %sub3A_464 : vector<32xbf16> to vector<16xi32>
        %and3A_466 = arith.andi %bitcast3A_465, %broadcast_in_dim3A_385 : vector<16xi32>
        %bitcast_convert_type3A_467 = tpu.bitcast %and3A_466 : vector<16xi32> -> vector<16xf32>
        %shift_left3A_468 = arith.constant 16 : i32
        %shift_left3A_469 = vector.broadcast %shift_left3A_468 : i32 to vector<16xi32>
        %shift_left3A_470 = arith.shli %bitcast3A_465, %shift_left3A_469 : vector<16xi32>
        %bitcast_convert_type3A_471 = tpu.bitcast %shift_left3A_470 : vector<16xi32> -> vector<16xf32>
        %mul3A_472 = arith.mulf %bitcast_convert_type3A_467, %bitcast_convert_type3A_467 : vector<16xf32>
        %add3A_473 = arith.addf %scan3A_382, %mul3A_472 : vector<16xf32>
        %mul3A_474 = arith.mulf %bitcast_convert_type3A_471, %bitcast_convert_type3A_471 : vector<16xf32>
        %add3A_475 = arith.addf %scan3A_383, %mul3A_474 : vector<16xf32>
        %scan3A_476 = arith.constant 1 : i32
        %scan3A_477 = arith.addi %scan3A_375, %scan3A_476 : i32
        %broadcast_in_dim3A_478 = arith.constant -65536 : i32
        %broadcast_in_dim3A_479 = vector.broadcast %broadcast_in_dim3A_478 : i32 to vector<16xi32>
        %get3A_480 = arith.constant 0 : i32
        %get3A_481 = arith.index_cast %get3A_480 : i32 to index
        %get3A_482 = arith.index_cast %scan3A_477 : i32 to index
        %get3A_483 = arith.constant 0 : index
        %get3A_484 = tpu.vector_load %arg8[%get3A_481, %get3A_482, %get3A_483] {strides = array<i32>} : memref<2x128x64xi32, #tpu.memory_space<vmem>>, vector<16xi32>,
        %get3A_485 = arith.constant 0 : i32
        %get3A_486 = arith.index_cast %get3A_485 : i32 to index
        %get3A_487 = arith.index_cast %scan3A_477 : i32 to index
        %get3A_488 = arith.constant 0 : index
        %get3A_489 = tpu.vector_load %arg9[%get3A_486, %get3A_487, %get3A_488] {strides = array<i32>} : memref<2x128x64xi32, #tpu.memory_space<vmem>>, vector<16xi32>,
        %bitcast3A_490 = vector.bitcast %get3A_484 : vector<16xi32> to vector<32xbf16>
        %bitcast3A_491 = vector.bitcast %get3A_489 : vector<16xi32> to vector<32xbf16>
        %sub3A_492 = arith.subf %bitcast3A_490, %bitcast3A_491 : vector<32xbf16>
        %bitcast3A_493 = vector.bitcast %sub3A_492 : vector<32xbf16> to vector<16xi32>
        %and3A_494 = arith.andi %bitcast3A_493, %broadcast_in_dim3A_479 : vector<16xi32>
        %bitcast_convert_type3A_495 = tpu.bitcast %and3A_494 : vector<16xi32> -> vector<16xf32>
        %shift_left3A_496 = arith.constant 16 : i32
        %shift_left3A_497 = vector.broadcast %shift_left3A_496 : i32 to vector<16xi32>
        %shift_left3A_498 = arith.shli %bitcast3A_493, %shift_left3A_497 : vector<16xi32>
        %bitcast_convert_type3A_499 = tpu.bitcast %shift_left3A_498 : vector<16xi32> -> vector<16xf32>
        %mul3A_500 = arith.mulf %bitcast_convert_type3A_495, %bitcast_convert_type3A_495 : vector<16xf32>
        %add3A_501 = arith.addf %add3A_401, %mul3A_500 : vector<16xf32>
        %mul3A_502 = arith.mulf %bitcast_convert_type3A_499, %bitcast_convert_type3A_499 : vector<16xf32>
        %add3A_503 = arith.addf %add3A_403, %mul3A_502 : vector<16xf32>
        %get3A_504 = arith.constant 0 : i32
        %get3A_505 = arith.index_cast %get3A_504 : i32 to index
        %get3A_506 = arith.index_cast %scan3A_477 : i32 to index
        %get3A_507 = arith.constant 16 : index
        %get3A_508 = tpu.vector_load %arg8[%get3A_505, %get3A_506, %get3A_507] {strides = array<i32>} : memref<2x128x64xi32, #tpu.memory_space<vmem>>, vector<16xi32>,
        %get3A_509 = arith.constant 0 : i32
        %get3A_510 = arith.index_cast %get3A_509 : i32 to index
        %get3A_511 = arith.index_cast %scan3A_477 : i32 to index
        %get3A_512 = arith.constant 16 : index
        %get3A_513 = tpu.vector_load %arg9[%get3A_510, %get3A_511, %get3A_512] {strides = array<i32>} : memref<2x128x64xi32, #tpu.memory_space<vmem>>, vector<16xi32>,
        %bitcast3A_514 = vector.bitcast %get3A_508 : vector<16xi32> to vector<32xbf16>
        %bitcast3A_515 = vector.bitcast %get3A_513 : vector<16xi32> to vector<32xbf16>
        %sub3A_516 = arith.subf %bitcast3A_514, %bitcast3A_515 : vector<32xbf16>
        %bitcast3A_517 = vector.bitcast %sub3A_516 : vector<32xbf16> to vector<16xi32>
        %and3A_518 = arith.andi %bitcast3A_517, %broadcast_in_dim3A_479 : vector<16xi32>
        %bitcast_convert_type3A_519 = tpu.bitcast %and3A_518 : vector<16xi32> -> vector<16xf32>
        %shift_left3A_520 = arith.constant 16 : i32
        %shift_left3A_521 = vector.broadcast %shift_left3A_520 : i32 to vector<16xi32>
        %shift_left3A_522 = arith.shli %bitcast3A_517, %shift_left3A_521 : vector<16xi32>
        %bitcast_convert_type3A_523 = tpu.bitcast %shift_left3A_522 : vector<16xi32> -> vector<16xf32>
        %mul3A_524 = arith.mulf %bitcast_convert_type3A_519, %bitcast_convert_type3A_519 : vector<16xf32>
        %add3A_525 = arith.addf %add3A_425, %mul3A_524 : vector<16xf32>
        %mul3A_526 = arith.mulf %bitcast_convert_type3A_523, %bitcast_convert_type3A_523 : vector<16xf32>
        %add3A_527 = arith.addf %add3A_427, %mul3A_526 : vector<16xf32>
        %get3A_528 = arith.constant 0 : i32
        %get3A_529 = arith.index_cast %get3A_528 : i32 to index
        %get3A_530 = arith.index_cast %scan3A_477 : i32 to index
        %get3A_531 = arith.constant 32 : index
        %get3A_532 = tpu.vector_load %arg8[%get3A_529, %get3A_530, %get3A_531] {strides = array<i32>} : memref<2x128x64xi32, #tpu.memory_space<vmem>>, vector<16xi32>,
        %get3A_533 = arith.constant 0 : i32
        %get3A_534 = arith.index_cast %get3A_533 : i32 to index
        %get3A_535 = arith.index_cast %scan3A_477 : i32 to index
        %get3A_536 = arith.constant 32 : index
        %get3A_537 = tpu.vector_load %arg9[%get3A_534, %get3A_535, %get3A_536] {strides = array<i32>} : memref<2x128x64xi32, #tpu.memory_space<vmem>>, vector<16xi32>,
        %bitcast3A_538 = vector.bitcast %get3A_532 : vector<16xi32> to vector<32xbf16>
        %bitcast3A_539 = vector.bitcast %get3A_537 : vector<16xi32> to vector<32xbf16>
        %sub3A_540 = arith.subf %bitcast3A_538, %bitcast3A_539 : vector<32xbf16>
        %bitcast3A_541 = vector.bitcast %sub3A_540 : vector<32xbf16> to vector<16xi32>
        %and3A_542 = arith.andi %bitcast3A_541, %broadcast_in_dim3A_479 : vector<16xi32>
        %bitcast_convert_type3A_543 = tpu.bitcast %and3A_542 : vector<16xi32> -> vector<16xf32>
        %shift_left3A_544 = arith.constant 16 : i32
        %shift_left3A_545 = vector.broadcast %shift_left3A_544 : i32 to vector<16xi32>
        %shift_left3A_546 = arith.shli %bitcast3A_541, %shift_left3A_545 : vector<16xi32>
        %bitcast_convert_type3A_547 = tpu.bitcast %shift_left3A_546 : vector<16xi32> -> vector<16xf32>
        %mul3A_548 = arith.mulf %bitcast_convert_type3A_543, %bitcast_convert_type3A_543 : vector<16xf32>
        %add3A_549 = arith.addf %add3A_449, %mul3A_548 : vector<16xf32>
        %mul3A_550 = arith.mulf %bitcast_convert_type3A_547, %bitcast_convert_type3A_547 : vector<16xf32>
        %add3A_551 = arith.addf %add3A_451, %mul3A_550 : vector<16xf32>
        %get3A_552 = arith.constant 0 : i32
        %get3A_553 = arith.index_cast %get3A_552 : i32 to index
        %get3A_554 = arith.index_cast %scan3A_477 : i32 to index
        %get3A_555 = arith.constant 48 : index
        %get3A_556 = tpu.vector_load %arg8[%get3A_553, %get3A_554, %get3A_555] {strides = array<i32>} : memref<2x128x64xi32, #tpu.memory_space<vmem>>, vector<16xi32>,
        %get3A_557 = arith.constant 0 : i32
        %get3A_558 = arith.index_cast %get3A_557 : i32 to index
        %get3A_559 = arith.index_cast %scan3A_477 : i32 to index
        %get3A_560 = arith.constant 48 : index
        %get3A_561 = tpu.vector_load %arg9[%get3A_558, %get3A_559, %get3A_560] {strides = array<i32>} : memref<2x128x64xi32, #tpu.memory_space<vmem>>, vector<16xi32>,
        %bitcast3A_562 = vector.bitcast %get3A_556 : vector<16xi32> to vector<32xbf16>
        %bitcast3A_563 = vector.bitcast %get3A_561 : vector<16xi32> to vector<32xbf16>
        %sub3A_564 = arith.subf %bitcast3A_562, %bitcast3A_563 : vector<32xbf16>
        %bitcast3A_565 = vector.bitcast %sub3A_564 : vector<32xbf16> to vector<16xi32>
        %and3A_566 = arith.andi %bitcast3A_565, %broadcast_in_dim3A_479 : vector<16xi32>
        %bitcast_convert_type3A_567 = tpu.bitcast %and3A_566 : vector<16xi32> -> vector<16xf32>
        %shift_left3A_568 = arith.constant 16 : i32
        %shift_left3A_569 = vector.broadcast %shift_left3A_568 : i32 to vector<16xi32>
        %shift_left3A_570 = arith.shli %bitcast3A_565, %shift_left3A_569 : vector<16xi32>
        %bitcast_convert_type3A_571 = tpu.bitcast %shift_left3A_570 : vector<16xi32> -> vector<16xf32>
        %mul3A_572 = arith.mulf %bitcast_convert_type3A_567, %bitcast_convert_type3A_567 : vector<16xf32>
        %add3A_573 = arith.addf %add3A_473, %mul3A_572 : vector<16xf32>
        %mul3A_574 = arith.mulf %bitcast_convert_type3A_571, %bitcast_convert_type3A_571 : vector<16xf32>
        %add3A_575 = arith.addf %add3A_475, %mul3A_574 : vector<16xf32>
        %scan3A_576 = arith.constant 2 : i32
        %scan3A_577 = arith.addi %scan3A_375, %scan3A_576 : i32
        %broadcast_in_dim3A_578 = arith.constant -65536 : i32
        %broadcast_in_dim3A_579 = vector.broadcast %broadcast_in_dim3A_578 : i32 to vector<16xi32>
        %get3A_580 = arith.constant 0 : i32
        %get3A_581 = arith.index_cast %get3A_580 : i32 to index
        %get3A_582 = arith.index_cast %scan3A_577 : i32 to index
        %get3A_583 = arith.constant 0 : index
        %get3A_584 = tpu.vector_load %arg8[%get3A_581, %get3A_582, %get3A_583] {strides = array<i32>} : memref<2x128x64xi32, #tpu.memory_space<vmem>>, vector<16xi32>,
        %get3A_585 = arith.constant 0 : i32
        %get3A_586 = arith.index_cast %get3A_585 : i32 to index
        %get3A_587 = arith.index_cast %scan3A_577 : i32 to index
        %get3A_588 = arith.constant 0 : index
        %get3A_589 = tpu.vector_load %arg9[%get3A_586, %get3A_587, %get3A_588] {strides = array<i32>} : memref<2x128x64xi32, #tpu.memory_space<vmem>>, vector<16xi32>,
        %bitcast3A_590 = vector.bitcast %get3A_584 : vector<16xi32> to vector<32xbf16>
        %bitcast3A_591 = vector.bitcast %get3A_589 : vector<16xi32> to vector<32xbf16>
        %sub3A_592 = arith.subf %bitcast3A_590, %bitcast3A_591 : vector<32xbf16>
        %bitcast3A_593 = vector.bitcast %sub3A_592 : vector<32xbf16> to vector<16xi32>
        %and3A_594 = arith.andi %bitcast3A_593, %broadcast_in_dim3A_579 : vector<16xi32>
        %bitcast_convert_type3A_595 = tpu.bitcast %and3A_594 : vector<16xi32> -> vector<16xf32>
        %shift_left3A_596 = arith.constant 16 : i32
        %shift_left3A_597 = vector.broadcast %shift_left3A_596 : i32 to vector<16xi32>
        %shift_left3A_598 = arith.shli %bitcast3A_593, %shift_left3A_597 : vector<16xi32>
        %bitcast_convert_type3A_599 = tpu.bitcast %shift_left3A_598 : vector<16xi32> -> vector<16xf32>
        %mul3A_600 = arith.mulf %bitcast_convert_type3A_595, %bitcast_convert_type3A_595 : vector<16xf32>
        %add3A_601 = arith.addf %add3A_501, %mul3A_600 : vector<16xf32>
        %mul3A_602 = arith.mulf %bitcast_convert_type3A_599, %bitcast_convert_type3A_599 : vector<16xf32>
        %add3A_603 = arith.addf %add3A_503, %mul3A_602 : vector<16xf32>
        %get3A_604 = arith.constant 0 : i32
        %get3A_605 = arith.index_cast %get3A_604 : i32 to index
        %get3A_606 = arith.index_cast %scan3A_577 : i32 to index
        %get3A_607 = arith.constant 16 : index
        %get3A_608 = tpu.vector_load %arg8[%get3A_605, %get3A_606, %get3A_607] {strides = array<i32>} : memref<2x128x64xi32, #tpu.memory_space<vmem>>, vector<16xi32>,
        %get3A_609 = arith.constant 0 : i32
        %get3A_610 = arith.index_cast %get3A_609 : i32 to index
        %get3A_611 = arith.index_cast %scan3A_577 : i32 to index
        %get3A_612 = arith.constant 16 : index
        %get3A_613 = tpu.vector_load %arg9[%get3A_610, %get3A_611, %get3A_612] {strides = array<i32>} : memref<2x128x64xi32, #tpu.memory_space<vmem>>, vector<16xi32>,
        %bitcast3A_614 = vector.bitcast %get3A_608 : vector<16xi32> to vector<32xbf16>
        %bitcast3A_615 = vector.bitcast %get3A_613 : vector<16xi32> to vector<32xbf16>
        %sub3A_616 = arith.subf %bitcast3A_614, %bitcast3A_615 : vector<32xbf16>
        %bitcast3A_617 = vector.bitcast %sub3A_616 : vector<32xbf16> to vector<16xi32>
        %and3A_618 = arith.andi %bitcast3A_617, %broadcast_in_dim3A_579 : vector<16xi32>
        %bitcast_convert_type3A_619 = tpu.bitcast %and3A_618 : vector<16xi32> -> vector<16xf32>
        %shift_left3A_620 = arith.constant 16 : i32
        %shift_left3A_621 = vector.broadcast %shift_left3A_620 : i32 to vector<16xi32>
        %shift_left3A_622 = arith.shli %bitcast3A_617, %shift_left3A_621 : vector<16xi32>
        %bitcast_convert_type3A_623 = tpu.bitcast %shift_left3A_622 : vector<16xi32> -> vector<16xf32>
        %mul3A_624 = arith.mulf %bitcast_convert_type3A_619, %bitcast_convert_type3A_619 : vector<16xf32>
        %add3A_625 = arith.addf %add3A_525, %mul3A_624 : vector<16xf32>
        %mul3A_626 = arith.mulf %bitcast_convert_type3A_623, %bitcast_convert_type3A_623 : vector<16xf32>
        %add3A_627 = arith.addf %add3A_527, %mul3A_626 : vector<16xf32>
        %get3A_628 = arith.constant 0 : i32
        %get3A_629 = arith.index_cast %get3A_628 : i32 to index
        %get3A_630 = arith.index_cast %scan3A_577 : i32 to index
        %get3A_631 = arith.constant 32 : index
        %get3A_632 = tpu.vector_load %arg8[%get3A_629, %get3A_630, %get3A_631] {strides = array<i32>} : memref<2x128x64xi32, #tpu.memory_space<vmem>>, vector<16xi32>,
        %get3A_633 = arith.constant 0 : i32
        %get3A_634 = arith.index_cast %get3A_633 : i32 to index
        %get3A_635 = arith.index_cast %scan3A_577 : i32 to index
        %get3A_636 = arith.constant 32 : index
        %get3A_637 = tpu.vector_load %arg9[%get3A_634, %get3A_635, %get3A_636] {strides = array<i32>} : memref<2x128x64xi32, #tpu.memory_space<vmem>>, vector<16xi32>,
        %bitcast3A_638 = vector.bitcast %get3A_632 : vector<16xi32> to vector<32xbf16>
        %bitcast3A_639 = vector.bitcast %get3A_637 : vector<16xi32> to vector<32xbf16>
        %sub3A_640 = arith.subf %bitcast3A_638, %bitcast3A_639 : vector<32xbf16>
        %bitcast3A_641 = vector.bitcast %sub3A_640 : vector<32xbf16> to vector<16xi32>
        %and3A_642 = arith.andi %bitcast3A_641, %broadcast_in_dim3A_579 : vector<16xi32>
        %bitcast_convert_type3A_643 = tpu.bitcast %and3A_642 : vector<16xi32> -> vector<16xf32>
        %shift_left3A_644 = arith.constant 16 : i32
        %shift_left3A_645 = vector.broadcast %shift_left3A_644 : i32 to vector<16xi32>
        %shift_left3A_646 = arith.shli %bitcast3A_641, %shift_left3A_645 : vector<16xi32>
        %bitcast_convert_type3A_647 = tpu.bitcast %shift_left3A_646 : vector<16xi32> -> vector<16xf32>
        %mul3A_648 = arith.mulf %bitcast_convert_type3A_643, %bitcast_convert_type3A_643 : vector<16xf32>
        %add3A_649 = arith.addf %add3A_549, %mul3A_648 : vector<16xf32>
        %mul3A_650 = arith.mulf %bitcast_convert_type3A_647, %bitcast_convert_type3A_647 : vector<16xf32>
        %add3A_651 = arith.addf %add3A_551, %mul3A_650 : vector<16xf32>
        %get3A_652 = arith.constant 0 : i32
        %get3A_653 = arith.index_cast %get3A_652 : i32 to index
        %get3A_654 = arith.index_cast %scan3A_577 : i32 to index
        %get3A_655 = arith.constant 48 : index
        %get3A_656 = tpu.vector_load %arg8[%get3A_653, %get3A_654, %get3A_655] {strides = array<i32>} : memref<2x128x64xi32, #tpu.memory_space<vmem>>, vector<16xi32>,
        %get3A_657 = arith.constant 0 : i32
        %get3A_658 = arith.index_cast %get3A_657 : i32 to index
        %get3A_659 = arith.index_cast %scan3A_577 : i32 to index
        %get3A_660 = arith.constant 48 : index
        %get3A_661 = tpu.vector_load %arg9[%get3A_658, %get3A_659, %get3A_660] {strides = array<i32>} : memref<2x128x64xi32, #tpu.memory_space<vmem>>, vector<16xi32>,
        %bitcast3A_662 = vector.bitcast %get3A_656 : vector<16xi32> to vector<32xbf16>
        %bitcast3A_663 = vector.bitcast %get3A_661 : vector<16xi32> to vector<32xbf16>
        %sub3A_664 = arith.subf %bitcast3A_662, %bitcast3A_663 : vector<32xbf16>
        %bitcast3A_665 = vector.bitcast %sub3A_664 : vector<32xbf16> to vector<16xi32>
        %and3A_666 = arith.andi %bitcast3A_665, %broadcast_in_dim3A_579 : vector<16xi32>
        %bitcast_convert_type3A_667 = tpu.bitcast %and3A_666 : vector<16xi32> -> vector<16xf32>
        %shift_left3A_668 = arith.constant 16 : i32
        %shift_left3A_669 = vector.broadcast %shift_left3A_668 : i32 to vector<16xi32>
        %shift_left3A_670 = arith.shli %bitcast3A_665, %shift_left3A_669 : vector<16xi32>
        %bitcast_convert_type3A_671 = tpu.bitcast %shift_left3A_670 : vector<16xi32> -> vector<16xf32>
        %mul3A_672 = arith.mulf %bitcast_convert_type3A_667, %bitcast_convert_type3A_667 : vector<16xf32>
        %add3A_673 = arith.addf %add3A_573, %mul3A_672 : vector<16xf32>
        %mul3A_674 = arith.mulf %bitcast_convert_type3A_671, %bitcast_convert_type3A_671 : vector<16xf32>
        %add3A_675 = arith.addf %add3A_575, %mul3A_674 : vector<16xf32>
        %scan3A_676 = arith.constant 3 : i32
        %scan3A_677 = arith.addi %scan3A_375, %scan3A_676 : i32
        %broadcast_in_dim3A_678 = arith.constant -65536 : i32
        %broadcast_in_dim3A_679 = vector.broadcast %broadcast_in_dim3A_678 : i32 to vector<16xi32>
        %get3A_680 = arith.constant 0 : i32
        %get3A_681 = arith.index_cast %get3A_680 : i32 to index
        %get3A_682 = arith.index_cast %scan3A_677 : i32 to index
        %get3A_683 = arith.constant 0 : index
        %get3A_684 = tpu.vector_load %arg8[%get3A_681, %get3A_682, %get3A_683] {strides = array<i32>} : memref<2x128x64xi32, #tpu.memory_space<vmem>>, vector<16xi32>,
        %get3A_685 = arith.constant 0 : i32
        %get3A_686 = arith.index_cast %get3A_685 : i32 to index
        %get3A_687 = arith.index_cast %scan3A_677 : i32 to index
        %get3A_688 = arith.constant 0 : index
        %get3A_689 = tpu.vector_load %arg9[%get3A_686, %get3A_687, %get3A_688] {strides = array<i32>} : memref<2x128x64xi32, #tpu.memory_space<vmem>>, vector<16xi32>,
        %bitcast3A_690 = vector.bitcast %get3A_684 : vector<16xi32> to vector<32xbf16>
        %bitcast3A_691 = vector.bitcast %get3A_689 : vector<16xi32> to vector<32xbf16>
        %sub3A_692 = arith.subf %bitcast3A_690, %bitcast3A_691 : vector<32xbf16>
        %bitcast3A_693 = vector.bitcast %sub3A_692 : vector<32xbf16> to vector<16xi32>
        %and3A_694 = arith.andi %bitcast3A_693, %broadcast_in_dim3A_679 : vector<16xi32>
        %bitcast_convert_type3A_695 = tpu.bitcast %and3A_694 : vector<16xi32> -> vector<16xf32>
        %shift_left3A_696 = arith.constant 16 : i32
        %shift_left3A_697 = vector.broadcast %shift_left3A_696 : i32 to vector<16xi32>
        %shift_left3A_698 = arith.shli %bitcast3A_693, %shift_left3A_697 : vector<16xi32>
        %bitcast_convert_type3A_699 = tpu.bitcast %shift_left3A_698 : vector<16xi32> -> vector<16xf32>
        %mul3A_700 = arith.mulf %bitcast_convert_type3A_695, %bitcast_convert_type3A_695 : vector<16xf32>
        %add3A_701 = arith.addf %add3A_601, %mul3A_700 : vector<16xf32>
        %mul3A_702 = arith.mulf %bitcast_convert_type3A_699, %bitcast_convert_type3A_699 : vector<16xf32>
        %add3A_703 = arith.addf %add3A_603, %mul3A_702 : vector<16xf32>
        %get3A_704 = arith.constant 0 : i32
        %get3A_705 = arith.index_cast %get3A_704 : i32 to index
        %get3A_706 = arith.index_cast %scan3A_677 : i32 to index
        %get3A_707 = arith.constant 16 : index
        %get3A_708 = tpu.vector_load %arg8[%get3A_705, %get3A_706, %get3A_707] {strides = array<i32>} : memref<2x128x64xi32, #tpu.memory_space<vmem>>, vector<16xi32>,
        %get3A_709 = arith.constant 0 : i32
        %get3A_710 = arith.index_cast %get3A_709 : i32 to index
        %get3A_711 = arith.index_cast %scan3A_677 : i32 to index
        %get3A_712 = arith.constant 16 : index
        %get3A_713 = tpu.vector_load %arg9[%get3A_710, %get3A_711, %get3A_712] {strides = array<i32>} : memref<2x128x64xi32, #tpu.memory_space<vmem>>, vector<16xi32>,
        %bitcast3A_714 = vector.bitcast %get3A_708 : vector<16xi32> to vector<32xbf16>
        %bitcast3A_715 = vector.bitcast %get3A_713 : vector<16xi32> to vector<32xbf16>
        %sub3A_716 = arith.subf %bitcast3A_714, %bitcast3A_715 : vector<32xbf16>
        %bitcast3A_717 = vector.bitcast %sub3A_716 : vector<32xbf16> to vector<16xi32>
        %and3A_718 = arith.andi %bitcast3A_717, %broadcast_in_dim3A_679 : vector<16xi32>
        %bitcast_convert_type3A_719 = tpu.bitcast %and3A_718 : vector<16xi32> -> vector<16xf32>
        %shift_left3A_720 = arith.constant 16 : i32
        %shift_left3A_721 = vector.broadcast %shift_left3A_720 : i32 to vector<16xi32>
        %shift_left3A_722 = arith.shli %bitcast3A_717, %shift_left3A_721 : vector<16xi32>
        %bitcast_convert_type3A_723 = tpu.bitcast %shift_left3A_722 : vector<16xi32> -> vector<16xf32>
        %mul3A_724 = arith.mulf %bitcast_convert_type3A_719, %bitcast_convert_type3A_719 : vector<16xf32>
        %add3A_725 = arith.addf %add3A_625, %mul3A_724 : vector<16xf32>
        %mul3A_726 = arith.mulf %bitcast_convert_type3A_723, %bitcast_convert_type3A_723 : vector<16xf32>
        %add3A_727 = arith.addf %add3A_627, %mul3A_726 : vector<16xf32>
        %get3A_728 = arith.constant 0 : i32
        %get3A_729 = arith.index_cast %get3A_728 : i32 to index
        %get3A_730 = arith.index_cast %scan3A_677 : i32 to index
        %get3A_731 = arith.constant 32 : index
        %get3A_732 = tpu.vector_load %arg8[%get3A_729, %get3A_730, %get3A_731] {strides = array<i32>} : memref<2x128x64xi32, #tpu.memory_space<vmem>>, vector<16xi32>,
        %get3A_733 = arith.constant 0 : i32
        %get3A_734 = arith.index_cast %get3A_733 : i32 to index
        %get3A_735 = arith.index_cast %scan3A_677 : i32 to index
        %get3A_736 = arith.constant 32 : index
        %get3A_737 = tpu.vector_load %arg9[%get3A_734, %get3A_735, %get3A_736] {strides = array<i32>} : memref<2x128x64xi32, #tpu.memory_space<vmem>>, vector<16xi32>,
        %bitcast3A_738 = vector.bitcast %get3A_732 : vector<16xi32> to vector<32xbf16>
        %bitcast3A_739 = vector.bitcast %get3A_737 : vector<16xi32> to vector<32xbf16>
        %sub3A_740 = arith.subf %bitcast3A_738, %bitcast3A_739 : vector<32xbf16>
        %bitcast3A_741 = vector.bitcast %sub3A_740 : vector<32xbf16> to vector<16xi32>
        %and3A_742 = arith.andi %bitcast3A_741, %broadcast_in_dim3A_679 : vector<16xi32>
        %bitcast_convert_type3A_743 = tpu.bitcast %and3A_742 : vector<16xi32> -> vector<16xf32>
        %shift_left3A_744 = arith.constant 16 : i32
        %shift_left3A_745 = vector.broadcast %shift_left3A_744 : i32 to vector<16xi32>
        %shift_left3A_746 = arith.shli %bitcast3A_741, %shift_left3A_745 : vector<16xi32>
        %bitcast_convert_type3A_747 = tpu.bitcast %shift_left3A_746 : vector<16xi32> -> vector<16xf32>
        %mul3A_748 = arith.mulf %bitcast_convert_type3A_743, %bitcast_convert_type3A_743 : vector<16xf32>
        %add3A_749 = arith.addf %add3A_649, %mul3A_748 : vector<16xf32>
        %mul3A_750 = arith.mulf %bitcast_convert_type3A_747, %bitcast_convert_type3A_747 : vector<16xf32>
        %add3A_751 = arith.addf %add3A_651, %mul3A_750 : vector<16xf32>
        %get3A_752 = arith.constant 0 : i32
        %get3A_753 = arith.index_cast %get3A_752 : i32 to index
        %get3A_754 = arith.index_cast %scan3A_677 : i32 to index
        %get3A_755 = arith.constant 48 : index
        %get3A_756 = tpu.vector_load %arg8[%get3A_753, %get3A_754, %get3A_755] {strides = array<i32>} : memref<2x128x64xi32, #tpu.memory_space<vmem>>, vector<16xi32>,
        %get3A_757 = arith.constant 0 : i32
        %get3A_758 = arith.index_cast %get3A_757 : i32 to index
        %get3A_759 = arith.index_cast %scan3A_677 : i32 to index
        %get3A_760 = arith.constant 48 : index
        %get3A_761 = tpu.vector_load %arg9[%get3A_758, %get3A_759, %get3A_760] {strides = array<i32>} : memref<2x128x64xi32, #tpu.memory_space<vmem>>, vector<16xi32>,
        %bitcast3A_762 = vector.bitcast %get3A_756 : vector<16xi32> to vector<32xbf16>
        %bitcast3A_763 = vector.bitcast %get3A_761 : vector<16xi32> to vector<32xbf16>
        %sub3A_764 = arith.subf %bitcast3A_762, %bitcast3A_763 : vector<32xbf16>
        %bitcast3A_765 = vector.bitcast %sub3A_764 : vector<32xbf16> to vector<16xi32>
        %and3A_766 = arith.andi %bitcast3A_765, %broadcast_in_dim3A_679 : vector<16xi32>
        %bitcast_convert_type3A_767 = tpu.bitcast %and3A_766 : vector<16xi32> -> vector<16xf32>
        %shift_left3A_768 = arith.constant 16 : i32
        %shift_left3A_769 = vector.broadcast %shift_left3A_768 : i32 to vector<16xi32>
        %shift_left3A_770 = arith.shli %bitcast3A_765, %shift_left3A_769 : vector<16xi32>
        %bitcast_convert_type3A_771 = tpu.bitcast %shift_left3A_770 : vector<16xi32> -> vector<16xf32>
        %mul3A_772 = arith.mulf %bitcast_convert_type3A_767, %bitcast_convert_type3A_767 : vector<16xf32>
        %add3A_773 = arith.addf %add3A_673, %mul3A_772 : vector<16xf32>
        %mul3A_774 = arith.mulf %bitcast_convert_type3A_771, %bitcast_convert_type3A_771 : vector<16xf32>
        %add3A_775 = arith.addf %add3A_675, %mul3A_774 : vector<16xf32>
        scf.yield %add3A_701, %add3A_703, %add3A_725, %add3A_727, %add3A_749, %add3A_751, %add3A_773, %add3A_775 : vector<16xf32>, vector<16xf32>, vector<16xf32>, vector<16xf32>, vector<16xf32>, vector<16xf32>, vector<16xf32>, vector<16xf32>
      }
      %scan3A_293 = arith.constant 128 : i32
      %add3A_294 = arith.addf %scan3A_292#0, %scan3A_292#1 : vector<16xf32>
      %add3A_295 = arith.addf %scan3A_292#2, %scan3A_292#3 : vector<16xf32>
      %add3A_296 = arith.addf %add3A_294, %add3A_295 : vector<16xf32>
      %add3A_297 = arith.addf %scan3A_292#4, %scan3A_292#5 : vector<16xf32>
      %add3A_298 = arith.addf %scan3A_292#6, %scan3A_292#7 : vector<16xf32>
      %add3A_299 = arith.addf %add3A_297, %add3A_298 : vector<16xf32>
      %add3A_300 = arith.addf %add3A_296, %add3A_299 : vector<16xf32>
      %add3A_301 = arith.addf %scan3A_237, %add3A_300 : vector<16xf32>
      %lt3A_302 = arith.constant 80 : i32
      %lt3A_303 = arith.cmpi slt, %add3A_245, %lt3A_302 : i32
      %convert_element_type3A_304 = arith.extui %lt3A_303 : i1 to i32
      %cond3A_305 = arith.constant 0 : i32
      %cond3A_306 = arith.cmpi ne, %convert_element_type3A_304, %cond3A_305 : i32
      scf.if %cond3A_306 {
        %dma_wait3A_375 = arith.constant 0 : i32
        %dma_wait3A_376 = arith.constant 0 : i32
        %dma_wait3A_377 = tpu.memref_slice %arg6[%dma_wait3A_375, %dma_wait3A_376] : memref<2x128xi32, #tpu.memory_space<vmem>> -> memref<1x128xi32, #tpu.memory_space<vmem>>
        %dma_wait3A_378 = tpu.memref_squeeze %dma_wait3A_377 : memref<1x128xi32, #tpu.memory_space<vmem>> -> memref<128xi32, #tpu.memory_space<vmem>>
        %dma_wait3A_379 = arith.constant 0 : i32
        %dma_wait3A_380 = arith.constant 0 : i32
        %dma_wait3A_381 = tpu.memref_slice %arg2[%add3A, %dma_wait3A_379, %dma_wait3A_380] : memref<32x80x128xi32, #tpu.memory_space<hbm>> -> memref<1x80x128xi32, #tpu.memory_space<hbm>>
        %dma_wait3A_382 = tpu.memref_squeeze %dma_wait3A_381 : memref<1x80x128xi32, #tpu.memory_space<hbm>> -> memref<80x128xi32, #tpu.memory_space<hbm>>
        %dma_wait3A_383 = arith.constant 0 : i32
        %dma_wait3A_384 = tpu.memref_slice %dma_wait3A_382[%add3A_245, %dma_wait3A_383] : memref<80x128xi32, #tpu.memory_space<hbm>> -> memref<1x128xi32, #tpu.memory_space<hbm>>
        %dma_wait3A_385 = tpu.memref_squeeze %dma_wait3A_384 : memref<1x128xi32, #tpu.memory_space<hbm>> -> memref<128xi32, #tpu.memory_space<hbm>>
        %dma_wait3A_386 = arith.constant 0 : i32
        %dma_wait3A_387 = tpu.memref_slice %arg6[%dma_wait3A_375, %dma_wait3A_386] : memref<2x128xi32, #tpu.memory_space<vmem>> -> memref<1x128xi32, #tpu.memory_space<vmem>>
        %dma_wait3A_388 = tpu.memref_squeeze %dma_wait3A_387 : memref<1x128xi32, #tpu.memory_space<vmem>> -> memref<128xi32, #tpu.memory_space<vmem>>
        %dma_wait3A_389 = arith.constant 0 : i32
        %dma_wait3A_390 = arith.constant 0 : i32
        %dma_wait3A_391 = tpu.memref_slice %arg2[%add3A, %dma_wait3A_389, %dma_wait3A_390] : memref<32x80x128xi32, #tpu.memory_space<hbm>> -> memref<1x80x128xi32, #tpu.memory_space<hbm>>
        %dma_wait3A_392 = tpu.memref_squeeze %dma_wait3A_391 : memref<1x80x128xi32, #tpu.memory_space<hbm>> -> memref<80x128xi32, #tpu.memory_space<hbm>>
        %dma_wait3A_393 = arith.constant 0 : i32
        %dma_wait3A_394 = tpu.memref_slice %dma_wait3A_392[%add3A_245, %dma_wait3A_393] : memref<80x128xi32, #tpu.memory_space<hbm>> -> memref<1x128xi32, #tpu.memory_space<hbm>>
        %dma_wait3A_395 = tpu.memref_squeeze %dma_wait3A_394 : memref<1x128xi32, #tpu.memory_space<hbm>> -> memref<128xi32, #tpu.memory_space<hbm>>
        tpu.wait_dma2 semaphore(%arg14 : memref<!tpu.dma_semaphore, #tpu.memory_space<semaphore_mem>>) src(%dma_wait3A_395 : memref<128xi32, #tpu.memory_space<hbm>>) dst(%dma_wait3A_388 : memref<128xi32, #tpu.memory_space<vmem>>)
        %dma_wait3A_396 = arith.constant 0 : i32
        %dma_wait3A_397 = arith.constant 0 : i32
        %dma_wait3A_398 = tpu.memref_slice %arg7[%dma_wait3A_396, %dma_wait3A_397] : memref<2x128xi32, #tpu.memory_space<vmem>> -> memref<1x128xi32, #tpu.memory_space<vmem>>
        %dma_wait3A_399 = tpu.memref_squeeze %dma_wait3A_398 : memref<1x128xi32, #tpu.memory_space<vmem>> -> memref<128xi32, #tpu.memory_space<vmem>>
        %dma_wait3A_400 = arith.constant 0 : i32
        %dma_wait3A_401 = arith.constant 0 : i32
        %dma_wait3A_402 = tpu.memref_slice %arg3[%add3A, %dma_wait3A_400, %dma_wait3A_401] : memref<32x80x128xi32, #tpu.memory_space<hbm>> -> memref<1x80x128xi32, #tpu.memory_space<hbm>>
        %dma_wait3A_403 = tpu.memref_squeeze %dma_wait3A_402 : memref<1x80x128xi32, #tpu.memory_space<hbm>> -> memref<80x128xi32, #tpu.memory_space<hbm>>
        %dma_wait3A_404 = arith.constant 0 : i32
        %dma_wait3A_405 = tpu.memref_slice %dma_wait3A_403[%add3A_245, %dma_wait3A_404] : memref<80x128xi32, #tpu.memory_space<hbm>> -> memref<1x128xi32, #tpu.memory_space<hbm>>
        %dma_wait3A_406 = tpu.memref_squeeze %dma_wait3A_405 : memref<1x128xi32, #tpu.memory_space<hbm>> -> memref<128xi32, #tpu.memory_space<hbm>>
        %dma_wait3A_407 = arith.constant 0 : i32
        %dma_wait3A_408 = tpu.memref_slice %arg7[%dma_wait3A_396, %dma_wait3A_407] : memref<2x128xi32, #tpu.memory_space<vmem>> -> memref<1x128xi32, #tpu.memory_space<vmem>>
        %dma_wait3A_409 = tpu.memref_squeeze %dma_wait3A_408 : memref<1x128xi32, #tpu.memory_space<vmem>> -> memref<128xi32, #tpu.memory_space<vmem>>
        %dma_wait3A_410 = arith.constant 0 : i32
        %dma_wait3A_411 = arith.constant 0 : i32
        %dma_wait3A_412 = tpu.memref_slice %arg3[%add3A, %dma_wait3A_410, %dma_wait3A_411] : memref<32x80x128xi32, #tpu.memory_space<hbm>> -> memref<1x80x128xi32, #tpu.memory_space<hbm>>
        %dma_wait3A_413 = tpu.memref_squeeze %dma_wait3A_412 : memref<1x80x128xi32, #tpu.memory_space<hbm>> -> memref<80x128xi32, #tpu.memory_space<hbm>>
        %dma_wait3A_414 = arith.constant 0 : i32
        %dma_wait3A_415 = tpu.memref_slice %dma_wait3A_413[%add3A_245, %dma_wait3A_414] : memref<80x128xi32, #tpu.memory_space<hbm>> -> memref<1x128xi32, #tpu.memory_space<hbm>>
        %dma_wait3A_416 = tpu.memref_squeeze %dma_wait3A_415 : memref<1x128xi32, #tpu.memory_space<hbm>> -> memref<128xi32, #tpu.memory_space<hbm>>
        tpu.wait_dma2 semaphore(%arg14 : memref<!tpu.dma_semaphore, #tpu.memory_space<semaphore_mem>>) src(%dma_wait3A_416 : memref<128xi32, #tpu.memory_space<hbm>>) dst(%dma_wait3A_409 : memref<128xi32, #tpu.memory_space<vmem>>)
        %dma_start3A_417 = arith.constant 0 : i32
        %dma_start3A_418 = arith.constant 0 : i32
        %dma_start3A_419 = arith.constant 0 : i32
        %dma_start3A_420 = arith.constant 0 : i32
        %dma_start3A_421 = tpu.memref_slice %arg8[%dma_start3A_418, %dma_start3A_419, %dma_start3A_420] : memref<2x128x64xi32, #tpu.memory_space<vmem>> -> memref<1x128x64xi32, #tpu.memory_space<vmem>>
        %dma_start3A_422 = tpu.memref_squeeze %dma_start3A_421 : memref<1x128x64xi32, #tpu.memory_space<vmem>> -> memref<128x64xi32, #tpu.memory_space<vmem>>
        %dma_start3A_423 = arith.constant 0 : i32
        %dma_start3A_424 = tpu.memref_slice %arg6[%dma_start3A_417, %dma_start3A_423] : memref<2x128xi32, #tpu.memory_space<vmem>> -> memref<1x128xi32, #tpu.memory_space<vmem>>
        %dma_start3A_425 = tpu.memref_squeeze %dma_start3A_424 : memref<1x128xi32, #tpu.memory_space<vmem>> -> memref<128xi32, #tpu.memory_space<vmem>>
        %dma_start3A_426 = arith.constant 0 : i32
        %dma_start3A_427 = arith.constant 0 : i32
        %dma_start3A_428 = tpu.memref_slice %arg11[%dma_start3A_426, %dma_start3A_427] : memref<10000x64xi32, #tpu.memory_space<vmem_shared>> -> memref<10000x64xi32, #tpu.memory_space<vmem_shared>>
        tpu.enqueue_indirect_dma source(%dma_start3A_428 : memref<10000x64xi32, #tpu.memory_space<vmem_shared>>) target(%dma_start3A_422 : memref<128x64xi32, #tpu.memory_space<vmem>>) offsets(%dma_start3A_425 : memref<128xi32, #tpu.memory_space<vmem>>) semaphore(%arg12 : memref<!tpu.dma_semaphore, #tpu.memory_space<semaphore_mem>>)
        %dma_start3A_429 = arith.constant 0 : i32
        %dma_start3A_430 = arith.constant 0 : i32
        %dma_start3A_431 = arith.constant 0 : i32
        %dma_start3A_432 = arith.constant 0 : i32
        %dma_start3A_433 = tpu.memref_slice %arg9[%dma_start3A_430, %dma_start3A_431, %dma_start3A_432] : memref<2x128x64xi32, #tpu.memory_space<vmem>> -> memref<1x128x64xi32, #tpu.memory_space<vmem>>
        %dma_start3A_434 = tpu.memref_squeeze %dma_start3A_433 : memref<1x128x64xi32, #tpu.memory_space<vmem>> -> memref<128x64xi32, #tpu.memory_space<vmem>>
        %dma_start3A_435 = arith.constant 0 : i32
        %dma_start3A_436 = tpu.memref_slice %arg7[%dma_start3A_429, %dma_start3A_435] : memref<2x128xi32, #tpu.memory_space<vmem>> -> memref<1x128xi32, #tpu.memory_space<vmem>>
        %dma_start3A_437 = tpu.memref_squeeze %dma_start3A_436 : memref<1x128xi32, #tpu.memory_space<vmem>> -> memref<128xi32, #tpu.memory_space<vmem>>
        %dma_start3A_438 = arith.constant 0 : i32
        %dma_start3A_439 = arith.constant 0 : i32
        %dma_start3A_440 = tpu.memref_slice %arg11[%dma_start3A_438, %dma_start3A_439] : memref<10000x64xi32, #tpu.memory_space<vmem_shared>> -> memref<10000x64xi32, #tpu.memory_space<vmem_shared>>
        tpu.enqueue_indirect_dma source(%dma_start3A_440 : memref<10000x64xi32, #tpu.memory_space<vmem_shared>>) target(%dma_start3A_434 : memref<128x64xi32, #tpu.memory_space<vmem>>) offsets(%dma_start3A_437 : memref<128xi32, #tpu.memory_space<vmem>>) semaphore(%arg12 : memref<!tpu.dma_semaphore, #tpu.memory_space<semaphore_mem>>)
      } else {
      }
      %add3A_307 = arith.constant 1 : i32
      %add3A_308 = arith.addi %add3A_241, %add3A_307 : i32
      %add3A_309 = arith.constant 2 : i32
      %add3A_310 = arith.addi %add3A_308, %add3A_309 : i32
      %dma_wait3A_311 = arith.constant 1 : i32
      %dma_wait3A_312 = arith.constant 1 : i32
      %dma_wait3A_313 = arith.constant 0 : i32
      %dma_wait3A_314 = arith.constant 0 : i32
      %dma_wait3A_315 = tpu.memref_slice %arg8[%dma_wait3A_312, %dma_wait3A_313, %dma_wait3A_314] : memref<2x128x64xi32, #tpu.memory_space<vmem>> -> memref<1x128x64xi32, #tpu.memory_space<vmem>>
      %dma_wait3A_316 = tpu.memref_squeeze %dma_wait3A_315 : memref<1x128x64xi32, #tpu.memory_space<vmem>> -> memref<128x64xi32, #tpu.memory_space<vmem>>
      %dma_wait3A_317 = arith.constant 0 : i32
      %dma_wait3A_318 = tpu.memref_slice %arg6[%dma_wait3A_311, %dma_wait3A_317] : memref<2x128xi32, #tpu.memory_space<vmem>> -> memref<1x128xi32, #tpu.memory_space<vmem>>
      %dma_wait3A_319 = tpu.memref_squeeze %dma_wait3A_318 : memref<1x128xi32, #tpu.memory_space<vmem>> -> memref<128xi32, #tpu.memory_space<vmem>>
      %dma_wait3A_320 = arith.constant 0 : i32
      %dma_wait3A_321 = arith.constant 0 : i32
      %dma_wait3A_322 = tpu.memref_slice %arg11[%dma_wait3A_320, %dma_wait3A_321] : memref<10000x64xi32, #tpu.memory_space<vmem_shared>> -> memref<10000x64xi32, #tpu.memory_space<vmem_shared>>
      tpu.wait_indirect_dma semaphore(%arg13 : memref<!tpu.dma_semaphore, #tpu.memory_space<semaphore_mem>>) src(%dma_wait3A_322 : memref<10000x64xi32, #tpu.memory_space<vmem_shared>>) dst(%dma_wait3A_316 : memref<128x64xi32, #tpu.memory_space<vmem>>)
      %dma_wait3A_323 = arith.constant 1 : i32
      %dma_wait3A_324 = arith.constant 1 : i32
      %dma_wait3A_325 = arith.constant 0 : i32
      %dma_wait3A_326 = arith.constant 0 : i32
      %dma_wait3A_327 = tpu.memref_slice %arg9[%dma_wait3A_324, %dma_wait3A_325, %dma_wait3A_326] : memref<2x128x64xi32, #tpu.memory_space<vmem>> -> memref<1x128x64xi32, #tpu.memory_space<vmem>>
      %dma_wait3A_328 = tpu.memref_squeeze %dma_wait3A_327 : memref<1x128x64xi32, #tpu.memory_space<vmem>> -> memref<128x64xi32, #tpu.memory_space<vmem>>
      %dma_wait3A_329 = arith.constant 0 : i32
      %dma_wait3A_330 = tpu.memref_slice %arg7[%dma_wait3A_323, %dma_wait3A_329] : memref<2x128xi32, #tpu.memory_space<vmem>> -> memref<1x128xi32, #tpu.memory_space<vmem>>
      %dma_wait3A_331 = tpu.memref_squeeze %dma_wait3A_330 : memref<1x128xi32, #tpu.memory_space<vmem>> -> memref<128xi32, #tpu.memory_space<vmem>>
      %dma_wait3A_332 = arith.constant 0 : i32
      %dma_wait3A_333 = arith.constant 0 : i32
      %dma_wait3A_334 = tpu.memref_slice %arg11[%dma_wait3A_332, %dma_wait3A_333] : memref<10000x64xi32, #tpu.memory_space<vmem_shared>> -> memref<10000x64xi32, #tpu.memory_space<vmem_shared>>
      tpu.wait_indirect_dma semaphore(%arg13 : memref<!tpu.dma_semaphore, #tpu.memory_space<semaphore_mem>>) src(%dma_wait3A_334 : memref<10000x64xi32, #tpu.memory_space<vmem_shared>>) dst(%dma_wait3A_328 : memref<128x64xi32, #tpu.memory_space<vmem>>)
      %lt3A_335 = arith.constant 80 : i32
      %lt3A_336 = arith.cmpi slt, %add3A_310, %lt3A_335 : i32
      %convert_element_type3A_337 = arith.extui %lt3A_336 : i1 to i32
      %cond3A_338 = arith.constant 0 : i32
      %cond3A_339 = arith.cmpi ne, %convert_element_type3A_337, %cond3A_338 : i32
      scf.if %cond3A_339 {
        %dma_start3A_375 = arith.constant 1 : i32
        %dma_start3A_376 = arith.constant 0 : i32
        %dma_start3A_377 = tpu.memref_slice %arg6[%dma_start3A_375, %dma_start3A_376] : memref<2x128xi32, #tpu.memory_space<vmem>> -> memref<1x128xi32, #tpu.memory_space<vmem>>
        %dma_start3A_378 = tpu.memref_squeeze %dma_start3A_377 : memref<1x128xi32, #tpu.memory_space<vmem>> -> memref<128xi32, #tpu.memory_space<vmem>>
        %dma_start3A_379 = arith.constant 0 : i32
        %dma_start3A_380 = arith.constant 0 : i32
        %dma_start3A_381 = tpu.memref_slice %arg2[%add3A, %dma_start3A_379, %dma_start3A_380] : memref<32x80x128xi32, #tpu.memory_space<hbm>> -> memref<1x80x128xi32, #tpu.memory_space<hbm>>
        %dma_start3A_382 = tpu.memref_squeeze %dma_start3A_381 : memref<1x80x128xi32, #tpu.memory_space<hbm>> -> memref<80x128xi32, #tpu.memory_space<hbm>>
        %dma_start3A_383 = arith.constant 0 : i32
        %dma_start3A_384 = tpu.memref_slice %dma_start3A_382[%add3A_310, %dma_start3A_383] : memref<80x128xi32, #tpu.memory_space<hbm>> -> memref<1x128xi32, #tpu.memory_space<hbm>>
        %dma_start3A_385 = tpu.memref_squeeze %dma_start3A_384 : memref<1x128xi32, #tpu.memory_space<hbm>> -> memref<128xi32, #tpu.memory_space<hbm>>
        %dma_start3A_386 = arith.constant 0 : i32
        %dma_start3A_387 = tpu.memref_slice %arg6[%dma_start3A_375, %dma_start3A_386] : memref<2x128xi32, #tpu.memory_space<vmem>> -> memref<1x128xi32, #tpu.memory_space<vmem>>
        %dma_start3A_388 = tpu.memref_squeeze %dma_start3A_387 : memref<1x128xi32, #tpu.memory_space<vmem>> -> memref<128xi32, #tpu.memory_space<vmem>>
        %dma_start3A_389 = arith.constant 0 : i32
        %dma_start3A_390 = arith.constant 0 : i32
        %dma_start3A_391 = tpu.memref_slice %arg2[%add3A, %dma_start3A_389, %dma_start3A_390] : memref<32x80x128xi32, #tpu.memory_space<hbm>> -> memref<1x80x128xi32, #tpu.memory_space<hbm>>
        %dma_start3A_392 = tpu.memref_squeeze %dma_start3A_391 : memref<1x80x128xi32, #tpu.memory_space<hbm>> -> memref<80x128xi32, #tpu.memory_space<hbm>>
        %dma_start3A_393 = arith.constant 0 : i32
        %dma_start3A_394 = tpu.memref_slice %dma_start3A_392[%add3A_310, %dma_start3A_393] : memref<80x128xi32, #tpu.memory_space<hbm>> -> memref<1x128xi32, #tpu.memory_space<hbm>>
        %dma_start3A_395 = tpu.memref_squeeze %dma_start3A_394 : memref<1x128xi32, #tpu.memory_space<hbm>> -> memref<128xi32, #tpu.memory_space<hbm>>
        tpu.enqueue_dma source(%dma_start3A_395 : memref<128xi32, #tpu.memory_space<hbm>>) target(%dma_start3A_388 : memref<128xi32, #tpu.memory_space<vmem>>) target_semaphore(%arg14 : memref<!tpu.dma_semaphore, #tpu.memory_space<semaphore_mem>>)
        %dma_start3A_396 = arith.constant 1 : i32
        %dma_start3A_397 = arith.constant 0 : i32
        %dma_start3A_398 = tpu.memref_slice %arg7[%dma_start3A_396, %dma_start3A_397] : memref<2x128xi32, #tpu.memory_space<vmem>> -> memref<1x128xi32, #tpu.memory_space<vmem>>
        %dma_start3A_399 = tpu.memref_squeeze %dma_start3A_398 : memref<1x128xi32, #tpu.memory_space<vmem>> -> memref<128xi32, #tpu.memory_space<vmem>>
        %dma_start3A_400 = arith.constant 0 : i32
        %dma_start3A_401 = arith.constant 0 : i32
        %dma_start3A_402 = tpu.memref_slice %arg3[%add3A, %dma_start3A_400, %dma_start3A_401] : memref<32x80x128xi32, #tpu.memory_space<hbm>> -> memref<1x80x128xi32, #tpu.memory_space<hbm>>
        %dma_start3A_403 = tpu.memref_squeeze %dma_start3A_402 : memref<1x80x128xi32, #tpu.memory_space<hbm>> -> memref<80x128xi32, #tpu.memory_space<hbm>>
        %dma_start3A_404 = arith.constant 0 : i32
        %dma_start3A_405 = tpu.memref_slice %dma_start3A_403[%add3A_310, %dma_start3A_404] : memref<80x128xi32, #tpu.memory_space<hbm>> -> memref<1x128xi32, #tpu.memory_space<hbm>>
        %dma_start3A_406 = tpu.memref_squeeze %dma_start3A_405 : memref<1x128xi32, #tpu.memory_space<hbm>> -> memref<128xi32, #tpu.memory_space<hbm>>
        %dma_start3A_407 = arith.constant 0 : i32
        %dma_start3A_408 = tpu.memref_slice %arg7[%dma_start3A_396, %dma_start3A_407] : memref<2x128xi32, #tpu.memory_space<vmem>> -> memref<1x128xi32, #tpu.memory_space<vmem>>
        %dma_start3A_409 = tpu.memref_squeeze %dma_start3A_408 : memref<1x128xi32, #tpu.memory_space<vmem>> -> memref<128xi32, #tpu.memory_space<vmem>>
        %dma_start3A_410 = arith.constant 0 : i32
        %dma_start3A_411 = arith.constant 0 : i32
        %dma_start3A_412 = tpu.memref_slice %arg3[%add3A, %dma_start3A_410, %dma_start3A_411] : memref<32x80x128xi32, #tpu.memory_space<hbm>> -> memref<1x80x128xi32, #tpu.memory_space<hbm>>
        %dma_start3A_413 = tpu.memref_squeeze %dma_start3A_412 : memref<1x80x128xi32, #tpu.memory_space<hbm>> -> memref<80x128xi32, #tpu.memory_space<hbm>>
        %dma_start3A_414 = arith.constant 0 : i32
        %dma_start3A_415 = tpu.memref_slice %dma_start3A_413[%add3A_310, %dma_start3A_414] : memref<80x128xi32, #tpu.memory_space<hbm>> -> memref<1x128xi32, #tpu.memory_space<hbm>>
        %dma_start3A_416 = tpu.memref_squeeze %dma_start3A_415 : memref<1x128xi32, #tpu.memory_space<hbm>> -> memref<128xi32, #tpu.memory_space<hbm>>
        tpu.enqueue_dma source(%dma_start3A_416 : memref<128xi32, #tpu.memory_space<hbm>>) target(%dma_start3A_409 : memref<128xi32, #tpu.memory_space<vmem>>) target_semaphore(%arg14 : memref<!tpu.dma_semaphore, #tpu.memory_space<semaphore_mem>>)
      } else {
      }
      %broadcast_in_dim3A_340 = arith.constant 0.000000e+00 : f32
      %broadcast_in_dim3A_341 = vector.broadcast %broadcast_in_dim3A_340 : f32 to vector<16xf32>
      %broadcast_in_dim3A_342 = arith.constant 0.000000e+00 : f32
      %broadcast_in_dim3A_343 = vector.broadcast %broadcast_in_dim3A_342 : f32 to vector<16xf32>
      %broadcast_in_dim3A_344 = arith.constant 0.000000e+00 : f32
      %broadcast_in_dim3A_345 = vector.broadcast %broadcast_in_dim3A_344 : f32 to vector<16xf32>
      %broadcast_in_dim3A_346 = arith.constant 0.000000e+00 : f32
      %broadcast_in_dim3A_347 = vector.broadcast %broadcast_in_dim3A_346 : f32 to vector<16xf32>
      %broadcast_in_dim3A_348 = arith.constant 0.000000e+00 : f32
      %broadcast_in_dim3A_349 = vector.broadcast %broadcast_in_dim3A_348 : f32 to vector<16xf32>
      %broadcast_in_dim3A_350 = arith.constant 0.000000e+00 : f32
      %broadcast_in_dim3A_351 = vector.broadcast %broadcast_in_dim3A_350 : f32 to vector<16xf32>
      %broadcast_in_dim3A_352 = arith.constant 0.000000e+00 : f32
      %broadcast_in_dim3A_353 = vector.broadcast %broadcast_in_dim3A_352 : f32 to vector<16xf32>
      %broadcast_in_dim3A_354 = arith.constant 0.000000e+00 : f32
      %broadcast_in_dim3A_355 = vector.broadcast %broadcast_in_dim3A_354 : f32 to vector<16xf32>
      %scan3A_356 = arith.constant 0 : i32
      %scan3A_357 = arith.constant 128 : i32
      %scan3A_358 = arith.addi %scan3A_356, %scan3A_357 : i32
      %scan3A_359 = arith.constant 4 : i32
      %scan3A_360:8 = scf.for %scan3A_375 = %scan3A_356 to %scan3A_358 step %scan3A_359 iter_args(%scan3A_376 = %broadcast_in_dim3A_341, %scan3A_377 = %broadcast_in_dim3A_343, %scan3A_378 = %broadcast_in_dim3A_345, %scan3A_379 = %broadcast_in_dim3A_347, %scan3A_380 = %broadcast_in_dim3A_349, %scan3A_381 = %broadcast_in_dim3A_351, %scan3A_382 = %broadcast_in_dim3A_353, %scan3A_383 = %broadcast_in_dim3A_355) -> (vector<16xf32>, vector<16xf32>, vector<16xf32>, vector<16xf32>, vector<16xf32>, vector<16xf32>, vector<16xf32>, vector<16xf32>)  : i32 {
        %broadcast_in_dim3A_384 = arith.constant -65536 : i32
        %broadcast_in_dim3A_385 = vector.broadcast %broadcast_in_dim3A_384 : i32 to vector<16xi32>
        %get3A = arith.constant 1 : i32
        %get3A_386 = arith.index_cast %get3A : i32 to index
        %get3A_387 = arith.index_cast %scan3A_375 : i32 to index
        %get3A_388 = arith.constant 0 : index
        %get3A_389 = tpu.vector_load %arg8[%get3A_386, %get3A_387, %get3A_388] {strides = array<i32>} : memref<2x128x64xi32, #tpu.memory_space<vmem>>, vector<16xi32>,
        %get3A_390 = arith.constant 1 : i32
        %get3A_391 = arith.index_cast %get3A_390 : i32 to index
        %get3A_392 = arith.index_cast %scan3A_375 : i32 to index
        %get3A_393 = arith.constant 0 : index
        %get3A_394 = tpu.vector_load %arg9[%get3A_391, %get3A_392, %get3A_393] {strides = array<i32>} : memref<2x128x64xi32, #tpu.memory_space<vmem>>, vector<16xi32>,
        %bitcast3A = vector.bitcast %get3A_389 : vector<16xi32> to vector<32xbf16>
        %bitcast3A_395 = vector.bitcast %get3A_394 : vector<16xi32> to vector<32xbf16>
        %sub3A = arith.subf %bitcast3A, %bitcast3A_395 : vector<32xbf16>
        %bitcast3A_396 = vector.bitcast %sub3A : vector<32xbf16> to vector<16xi32>
        %and3A = arith.andi %bitcast3A_396, %broadcast_in_dim3A_385 : vector<16xi32>
        %bitcast_convert_type3A = tpu.bitcast %and3A : vector<16xi32> -> vector<16xf32>
        %shift_left3A = arith.constant 16 : i32
        %shift_left3A_397 = vector.broadcast %shift_left3A : i32 to vector<16xi32>
        %shift_left3A_398 = arith.shli %bitcast3A_396, %shift_left3A_397 : vector<16xi32>
        %bitcast_convert_type3A_399 = tpu.bitcast %shift_left3A_398 : vector<16xi32> -> vector<16xf32>
        %mul3A_400 = arith.mulf %bitcast_convert_type3A, %bitcast_convert_type3A : vector<16xf32>
        %add3A_401 = arith.addf %scan3A_376, %mul3A_400 : vector<16xf32>
        %mul3A_402 = arith.mulf %bitcast_convert_type3A_399, %bitcast_convert_type3A_399 : vector<16xf32>
        %add3A_403 = arith.addf %scan3A_377, %mul3A_402 : vector<16xf32>
        %get3A_404 = arith.constant 1 : i32
        %get3A_405 = arith.index_cast %get3A_404 : i32 to index
        %get3A_406 = arith.index_cast %scan3A_375 : i32 to index
        %get3A_407 = arith.constant 16 : index
        %get3A_408 = tpu.vector_load %arg8[%get3A_405, %get3A_406, %get3A_407] {strides = array<i32>} : memref<2x128x64xi32, #tpu.memory_space<vmem>>, vector<16xi32>,
        %get3A_409 = arith.constant 1 : i32
        %get3A_410 = arith.index_cast %get3A_409 : i32 to index
        %get3A_411 = arith.index_cast %scan3A_375 : i32 to index
        %get3A_412 = arith.constant 16 : index
        %get3A_413 = tpu.vector_load %arg9[%get3A_410, %get3A_411, %get3A_412] {strides = array<i32>} : memref<2x128x64xi32, #tpu.memory_space<vmem>>, vector<16xi32>,
        %bitcast3A_414 = vector.bitcast %get3A_408 : vector<16xi32> to vector<32xbf16>
        %bitcast3A_415 = vector.bitcast %get3A_413 : vector<16xi32> to vector<32xbf16>
        %sub3A_416 = arith.subf %bitcast3A_414, %bitcast3A_415 : vector<32xbf16>
        %bitcast3A_417 = vector.bitcast %sub3A_416 : vector<32xbf16> to vector<16xi32>
        %and3A_418 = arith.andi %bitcast3A_417, %broadcast_in_dim3A_385 : vector<16xi32>
        %bitcast_convert_type3A_419 = tpu.bitcast %and3A_418 : vector<16xi32> -> vector<16xf32>
        %shift_left3A_420 = arith.constant 16 : i32
        %shift_left3A_421 = vector.broadcast %shift_left3A_420 : i32 to vector<16xi32>
        %shift_left3A_422 = arith.shli %bitcast3A_417, %shift_left3A_421 : vector<16xi32>
        %bitcast_convert_type3A_423 = tpu.bitcast %shift_left3A_422 : vector<16xi32> -> vector<16xf32>
        %mul3A_424 = arith.mulf %bitcast_convert_type3A_419, %bitcast_convert_type3A_419 : vector<16xf32>
        %add3A_425 = arith.addf %scan3A_378, %mul3A_424 : vector<16xf32>
        %mul3A_426 = arith.mulf %bitcast_convert_type3A_423, %bitcast_convert_type3A_423 : vector<16xf32>
        %add3A_427 = arith.addf %scan3A_379, %mul3A_426 : vector<16xf32>
        %get3A_428 = arith.constant 1 : i32
        %get3A_429 = arith.index_cast %get3A_428 : i32 to index
        %get3A_430 = arith.index_cast %scan3A_375 : i32 to index
        %get3A_431 = arith.constant 32 : index
        %get3A_432 = tpu.vector_load %arg8[%get3A_429, %get3A_430, %get3A_431] {strides = array<i32>} : memref<2x128x64xi32, #tpu.memory_space<vmem>>, vector<16xi32>,
        %get3A_433 = arith.constant 1 : i32
        %get3A_434 = arith.index_cast %get3A_433 : i32 to index
        %get3A_435 = arith.index_cast %scan3A_375 : i32 to index
        %get3A_436 = arith.constant 32 : index
        %get3A_437 = tpu.vector_load %arg9[%get3A_434, %get3A_435, %get3A_436] {strides = array<i32>} : memref<2x128x64xi32, #tpu.memory_space<vmem>>, vector<16xi32>,
        %bitcast3A_438 = vector.bitcast %get3A_432 : vector<16xi32> to vector<32xbf16>
        %bitcast3A_439 = vector.bitcast %get3A_437 : vector<16xi32> to vector<32xbf16>
        %sub3A_440 = arith.subf %bitcast3A_438, %bitcast3A_439 : vector<32xbf16>
        %bitcast3A_441 = vector.bitcast %sub3A_440 : vector<32xbf16> to vector<16xi32>
        %and3A_442 = arith.andi %bitcast3A_441, %broadcast_in_dim3A_385 : vector<16xi32>
        %bitcast_convert_type3A_443 = tpu.bitcast %and3A_442 : vector<16xi32> -> vector<16xf32>
        %shift_left3A_444 = arith.constant 16 : i32
        %shift_left3A_445 = vector.broadcast %shift_left3A_444 : i32 to vector<16xi32>
        %shift_left3A_446 = arith.shli %bitcast3A_441, %shift_left3A_445 : vector<16xi32>
        %bitcast_convert_type3A_447 = tpu.bitcast %shift_left3A_446 : vector<16xi32> -> vector<16xf32>
        %mul3A_448 = arith.mulf %bitcast_convert_type3A_443, %bitcast_convert_type3A_443 : vector<16xf32>
        %add3A_449 = arith.addf %scan3A_380, %mul3A_448 : vector<16xf32>
        %mul3A_450 = arith.mulf %bitcast_convert_type3A_447, %bitcast_convert_type3A_447 : vector<16xf32>
        %add3A_451 = arith.addf %scan3A_381, %mul3A_450 : vector<16xf32>
        %get3A_452 = arith.constant 1 : i32
        %get3A_453 = arith.index_cast %get3A_452 : i32 to index
        %get3A_454 = arith.index_cast %scan3A_375 : i32 to index
        %get3A_455 = arith.constant 48 : index
        %get3A_456 = tpu.vector_load %arg8[%get3A_453, %get3A_454, %get3A_455] {strides = array<i32>} : memref<2x128x64xi32, #tpu.memory_space<vmem>>, vector<16xi32>,
        %get3A_457 = arith.constant 1 : i32
        %get3A_458 = arith.index_cast %get3A_457 : i32 to index
        %get3A_459 = arith.index_cast %scan3A_375 : i32 to index
        %get3A_460 = arith.constant 48 : index
        %get3A_461 = tpu.vector_load %arg9[%get3A_458, %get3A_459, %get3A_460] {strides = array<i32>} : memref<2x128x64xi32, #tpu.memory_space<vmem>>, vector<16xi32>,
        %bitcast3A_462 = vector.bitcast %get3A_456 : vector<16xi32> to vector<32xbf16>
        %bitcast3A_463 = vector.bitcast %get3A_461 : vector<16xi32> to vector<32xbf16>
        %sub3A_464 = arith.subf %bitcast3A_462, %bitcast3A_463 : vector<32xbf16>
        %bitcast3A_465 = vector.bitcast %sub3A_464 : vector<32xbf16> to vector<16xi32>
        %and3A_466 = arith.andi %bitcast3A_465, %broadcast_in_dim3A_385 : vector<16xi32>
        %bitcast_convert_type3A_467 = tpu.bitcast %and3A_466 : vector<16xi32> -> vector<16xf32>
        %shift_left3A_468 = arith.constant 16 : i32
        %shift_left3A_469 = vector.broadcast %shift_left3A_468 : i32 to vector<16xi32>
        %shift_left3A_470 = arith.shli %bitcast3A_465, %shift_left3A_469 : vector<16xi32>
        %bitcast_convert_type3A_471 = tpu.bitcast %shift_left3A_470 : vector<16xi32> -> vector<16xf32>
        %mul3A_472 = arith.mulf %bitcast_convert_type3A_467, %bitcast_convert_type3A_467 : vector<16xf32>
        %add3A_473 = arith.addf %scan3A_382, %mul3A_472 : vector<16xf32>
        %mul3A_474 = arith.mulf %bitcast_convert_type3A_471, %bitcast_convert_type3A_471 : vector<16xf32>
        %add3A_475 = arith.addf %scan3A_383, %mul3A_474 : vector<16xf32>
        %scan3A_476 = arith.constant 1 : i32
        %scan3A_477 = arith.addi %scan3A_375, %scan3A_476 : i32
        %broadcast_in_dim3A_478 = arith.constant -65536 : i32
        %broadcast_in_dim3A_479 = vector.broadcast %broadcast_in_dim3A_478 : i32 to vector<16xi32>
        %get3A_480 = arith.constant 1 : i32
        %get3A_481 = arith.index_cast %get3A_480 : i32 to index
        %get3A_482 = arith.index_cast %scan3A_477 : i32 to index
        %get3A_483 = arith.constant 0 : index
        %get3A_484 = tpu.vector_load %arg8[%get3A_481, %get3A_482, %get3A_483] {strides = array<i32>} : memref<2x128x64xi32, #tpu.memory_space<vmem>>, vector<16xi32>,
        %get3A_485 = arith.constant 1 : i32
        %get3A_486 = arith.index_cast %get3A_485 : i32 to index
        %get3A_487 = arith.index_cast %scan3A_477 : i32 to index
        %get3A_488 = arith.constant 0 : index
        %get3A_489 = tpu.vector_load %arg9[%get3A_486, %get3A_487, %get3A_488] {strides = array<i32>} : memref<2x128x64xi32, #tpu.memory_space<vmem>>, vector<16xi32>,
        %bitcast3A_490 = vector.bitcast %get3A_484 : vector<16xi32> to vector<32xbf16>
        %bitcast3A_491 = vector.bitcast %get3A_489 : vector<16xi32> to vector<32xbf16>
        %sub3A_492 = arith.subf %bitcast3A_490, %bitcast3A_491 : vector<32xbf16>
        %bitcast3A_493 = vector.bitcast %sub3A_492 : vector<32xbf16> to vector<16xi32>
        %and3A_494 = arith.andi %bitcast3A_493, %broadcast_in_dim3A_479 : vector<16xi32>
        %bitcast_convert_type3A_495 = tpu.bitcast %and3A_494 : vector<16xi32> -> vector<16xf32>
        %shift_left3A_496 = arith.constant 16 : i32
        %shift_left3A_497 = vector.broadcast %shift_left3A_496 : i32 to vector<16xi32>
        %shift_left3A_498 = arith.shli %bitcast3A_493, %shift_left3A_497 : vector<16xi32>
        %bitcast_convert_type3A_499 = tpu.bitcast %shift_left3A_498 : vector<16xi32> -> vector<16xf32>
        %mul3A_500 = arith.mulf %bitcast_convert_type3A_495, %bitcast_convert_type3A_495 : vector<16xf32>
        %add3A_501 = arith.addf %add3A_401, %mul3A_500 : vector<16xf32>
        %mul3A_502 = arith.mulf %bitcast_convert_type3A_499, %bitcast_convert_type3A_499 : vector<16xf32>
        %add3A_503 = arith.addf %add3A_403, %mul3A_502 : vector<16xf32>
        %get3A_504 = arith.constant 1 : i32
        %get3A_505 = arith.index_cast %get3A_504 : i32 to index
        %get3A_506 = arith.index_cast %scan3A_477 : i32 to index
        %get3A_507 = arith.constant 16 : index
        %get3A_508 = tpu.vector_load %arg8[%get3A_505, %get3A_506, %get3A_507] {strides = array<i32>} : memref<2x128x64xi32, #tpu.memory_space<vmem>>, vector<16xi32>,
        %get3A_509 = arith.constant 1 : i32
        %get3A_510 = arith.index_cast %get3A_509 : i32 to index
        %get3A_511 = arith.index_cast %scan3A_477 : i32 to index
        %get3A_512 = arith.constant 16 : index
        %get3A_513 = tpu.vector_load %arg9[%get3A_510, %get3A_511, %get3A_512] {strides = array<i32>} : memref<2x128x64xi32, #tpu.memory_space<vmem>>, vector<16xi32>,
        %bitcast3A_514 = vector.bitcast %get3A_508 : vector<16xi32> to vector<32xbf16>
        %bitcast3A_515 = vector.bitcast %get3A_513 : vector<16xi32> to vector<32xbf16>
        %sub3A_516 = arith.subf %bitcast3A_514, %bitcast3A_515 : vector<32xbf16>
        %bitcast3A_517 = vector.bitcast %sub3A_516 : vector<32xbf16> to vector<16xi32>
        %and3A_518 = arith.andi %bitcast3A_517, %broadcast_in_dim3A_479 : vector<16xi32>
        %bitcast_convert_type3A_519 = tpu.bitcast %and3A_518 : vector<16xi32> -> vector<16xf32>
        %shift_left3A_520 = arith.constant 16 : i32
        %shift_left3A_521 = vector.broadcast %shift_left3A_520 : i32 to vector<16xi32>
        %shift_left3A_522 = arith.shli %bitcast3A_517, %shift_left3A_521 : vector<16xi32>
        %bitcast_convert_type3A_523 = tpu.bitcast %shift_left3A_522 : vector<16xi32> -> vector<16xf32>
        %mul3A_524 = arith.mulf %bitcast_convert_type3A_519, %bitcast_convert_type3A_519 : vector<16xf32>
        %add3A_525 = arith.addf %add3A_425, %mul3A_524 : vector<16xf32>
        %mul3A_526 = arith.mulf %bitcast_convert_type3A_523, %bitcast_convert_type3A_523 : vector<16xf32>
        %add3A_527 = arith.addf %add3A_427, %mul3A_526 : vector<16xf32>
        %get3A_528 = arith.constant 1 : i32
        %get3A_529 = arith.index_cast %get3A_528 : i32 to index
        %get3A_530 = arith.index_cast %scan3A_477 : i32 to index
        %get3A_531 = arith.constant 32 : index
        %get3A_532 = tpu.vector_load %arg8[%get3A_529, %get3A_530, %get3A_531] {strides = array<i32>} : memref<2x128x64xi32, #tpu.memory_space<vmem>>, vector<16xi32>,
        %get3A_533 = arith.constant 1 : i32
        %get3A_534 = arith.index_cast %get3A_533 : i32 to index
        %get3A_535 = arith.index_cast %scan3A_477 : i32 to index
        %get3A_536 = arith.constant 32 : index
        %get3A_537 = tpu.vector_load %arg9[%get3A_534, %get3A_535, %get3A_536] {strides = array<i32>} : memref<2x128x64xi32, #tpu.memory_space<vmem>>, vector<16xi32>,
        %bitcast3A_538 = vector.bitcast %get3A_532 : vector<16xi32> to vector<32xbf16>
        %bitcast3A_539 = vector.bitcast %get3A_537 : vector<16xi32> to vector<32xbf16>
        %sub3A_540 = arith.subf %bitcast3A_538, %bitcast3A_539 : vector<32xbf16>
        %bitcast3A_541 = vector.bitcast %sub3A_540 : vector<32xbf16> to vector<16xi32>
        %and3A_542 = arith.andi %bitcast3A_541, %broadcast_in_dim3A_479 : vector<16xi32>
        %bitcast_convert_type3A_543 = tpu.bitcast %and3A_542 : vector<16xi32> -> vector<16xf32>
        %shift_left3A_544 = arith.constant 16 : i32
        %shift_left3A_545 = vector.broadcast %shift_left3A_544 : i32 to vector<16xi32>
        %shift_left3A_546 = arith.shli %bitcast3A_541, %shift_left3A_545 : vector<16xi32>
        %bitcast_convert_type3A_547 = tpu.bitcast %shift_left3A_546 : vector<16xi32> -> vector<16xf32>
        %mul3A_548 = arith.mulf %bitcast_convert_type3A_543, %bitcast_convert_type3A_543 : vector<16xf32>
        %add3A_549 = arith.addf %add3A_449, %mul3A_548 : vector<16xf32>
        %mul3A_550 = arith.mulf %bitcast_convert_type3A_547, %bitcast_convert_type3A_547 : vector<16xf32>
        %add3A_551 = arith.addf %add3A_451, %mul3A_550 : vector<16xf32>
        %get3A_552 = arith.constant 1 : i32
        %get3A_553 = arith.index_cast %get3A_552 : i32 to index
        %get3A_554 = arith.index_cast %scan3A_477 : i32 to index
        %get3A_555 = arith.constant 48 : index
        %get3A_556 = tpu.vector_load %arg8[%get3A_553, %get3A_554, %get3A_555] {strides = array<i32>} : memref<2x128x64xi32, #tpu.memory_space<vmem>>, vector<16xi32>,
        %get3A_557 = arith.constant 1 : i32
        %get3A_558 = arith.index_cast %get3A_557 : i32 to index
        %get3A_559 = arith.index_cast %scan3A_477 : i32 to index
        %get3A_560 = arith.constant 48 : index
        %get3A_561 = tpu.vector_load %arg9[%get3A_558, %get3A_559, %get3A_560] {strides = array<i32>} : memref<2x128x64xi32, #tpu.memory_space<vmem>>, vector<16xi32>,
        %bitcast3A_562 = vector.bitcast %get3A_556 : vector<16xi32> to vector<32xbf16>
        %bitcast3A_563 = vector.bitcast %get3A_561 : vector<16xi32> to vector<32xbf16>
        %sub3A_564 = arith.subf %bitcast3A_562, %bitcast3A_563 : vector<32xbf16>
        %bitcast3A_565 = vector.bitcast %sub3A_564 : vector<32xbf16> to vector<16xi32>
        %and3A_566 = arith.andi %bitcast3A_565, %broadcast_in_dim3A_479 : vector<16xi32>
        %bitcast_convert_type3A_567 = tpu.bitcast %and3A_566 : vector<16xi32> -> vector<16xf32>
        %shift_left3A_568 = arith.constant 16 : i32
        %shift_left3A_569 = vector.broadcast %shift_left3A_568 : i32 to vector<16xi32>
        %shift_left3A_570 = arith.shli %bitcast3A_565, %shift_left3A_569 : vector<16xi32>
        %bitcast_convert_type3A_571 = tpu.bitcast %shift_left3A_570 : vector<16xi32> -> vector<16xf32>
        %mul3A_572 = arith.mulf %bitcast_convert_type3A_567, %bitcast_convert_type3A_567 : vector<16xf32>
        %add3A_573 = arith.addf %add3A_473, %mul3A_572 : vector<16xf32>
        %mul3A_574 = arith.mulf %bitcast_convert_type3A_571, %bitcast_convert_type3A_571 : vector<16xf32>
        %add3A_575 = arith.addf %add3A_475, %mul3A_574 : vector<16xf32>
        %scan3A_576 = arith.constant 2 : i32
        %scan3A_577 = arith.addi %scan3A_375, %scan3A_576 : i32
        %broadcast_in_dim3A_578 = arith.constant -65536 : i32
        %broadcast_in_dim3A_579 = vector.broadcast %broadcast_in_dim3A_578 : i32 to vector<16xi32>
        %get3A_580 = arith.constant 1 : i32
        %get3A_581 = arith.index_cast %get3A_580 : i32 to index
        %get3A_582 = arith.index_cast %scan3A_577 : i32 to index
        %get3A_583 = arith.constant 0 : index
        %get3A_584 = tpu.vector_load %arg8[%get3A_581, %get3A_582, %get3A_583] {strides = array<i32>} : memref<2x128x64xi32, #tpu.memory_space<vmem>>, vector<16xi32>,
        %get3A_585 = arith.constant 1 : i32
        %get3A_586 = arith.index_cast %get3A_585 : i32 to index
        %get3A_587 = arith.index_cast %scan3A_577 : i32 to index
        %get3A_588 = arith.constant 0 : index
        %get3A_589 = tpu.vector_load %arg9[%get3A_586, %get3A_587, %get3A_588] {strides = array<i32>} : memref<2x128x64xi32, #tpu.memory_space<vmem>>, vector<16xi32>,
        %bitcast3A_590 = vector.bitcast %get3A_584 : vector<16xi32> to vector<32xbf16>
        %bitcast3A_591 = vector.bitcast %get3A_589 : vector<16xi32> to vector<32xbf16>
        %sub3A_592 = arith.subf %bitcast3A_590, %bitcast3A_591 : vector<32xbf16>
        %bitcast3A_593 = vector.bitcast %sub3A_592 : vector<32xbf16> to vector<16xi32>
        %and3A_594 = arith.andi %bitcast3A_593, %broadcast_in_dim3A_579 : vector<16xi32>
        %bitcast_convert_type3A_595 = tpu.bitcast %and3A_594 : vector<16xi32> -> vector<16xf32>
        %shift_left3A_596 = arith.constant 16 : i32
        %shift_left3A_597 = vector.broadcast %shift_left3A_596 : i32 to vector<16xi32>
        %shift_left3A_598 = arith.shli %bitcast3A_593, %shift_left3A_597 : vector<16xi32>
        %bitcast_convert_type3A_599 = tpu.bitcast %shift_left3A_598 : vector<16xi32> -> vector<16xf32>
        %mul3A_600 = arith.mulf %bitcast_convert_type3A_595, %bitcast_convert_type3A_595 : vector<16xf32>
        %add3A_601 = arith.addf %add3A_501, %mul3A_600 : vector<16xf32>
        %mul3A_602 = arith.mulf %bitcast_convert_type3A_599, %bitcast_convert_type3A_599 : vector<16xf32>
        %add3A_603 = arith.addf %add3A_503, %mul3A_602 : vector<16xf32>
        %get3A_604 = arith.constant 1 : i32
        %get3A_605 = arith.index_cast %get3A_604 : i32 to index
        %get3A_606 = arith.index_cast %scan3A_577 : i32 to index
        %get3A_607 = arith.constant 16 : index
        %get3A_608 = tpu.vector_load %arg8[%get3A_605, %get3A_606, %get3A_607] {strides = array<i32>} : memref<2x128x64xi32, #tpu.memory_space<vmem>>, vector<16xi32>,
        %get3A_609 = arith.constant 1 : i32
        %get3A_610 = arith.index_cast %get3A_609 : i32 to index
        %get3A_611 = arith.index_cast %scan3A_577 : i32 to index
        %get3A_612 = arith.constant 16 : index
        %get3A_613 = tpu.vector_load %arg9[%get3A_610, %get3A_611, %get3A_612] {strides = array<i32>} : memref<2x128x64xi32, #tpu.memory_space<vmem>>, vector<16xi32>,
        %bitcast3A_614 = vector.bitcast %get3A_608 : vector<16xi32> to vector<32xbf16>
        %bitcast3A_615 = vector.bitcast %get3A_613 : vector<16xi32> to vector<32xbf16>
        %sub3A_616 = arith.subf %bitcast3A_614, %bitcast3A_615 : vector<32xbf16>
        %bitcast3A_617 = vector.bitcast %sub3A_616 : vector<32xbf16> to vector<16xi32>
        %and3A_618 = arith.andi %bitcast3A_617, %broadcast_in_dim3A_579 : vector<16xi32>
        %bitcast_convert_type3A_619 = tpu.bitcast %and3A_618 : vector<16xi32> -> vector<16xf32>
        %shift_left3A_620 = arith.constant 16 : i32
        %shift_left3A_621 = vector.broadcast %shift_left3A_620 : i32 to vector<16xi32>
        %shift_left3A_622 = arith.shli %bitcast3A_617, %shift_left3A_621 : vector<16xi32>
        %bitcast_convert_type3A_623 = tpu.bitcast %shift_left3A_622 : vector<16xi32> -> vector<16xf32>
        %mul3A_624 = arith.mulf %bitcast_convert_type3A_619, %bitcast_convert_type3A_619 : vector<16xf32>
        %add3A_625 = arith.addf %add3A_525, %mul3A_624 : vector<16xf32>
        %mul3A_626 = arith.mulf %bitcast_convert_type3A_623, %bitcast_convert_type3A_623 : vector<16xf32>
        %add3A_627 = arith.addf %add3A_527, %mul3A_626 : vector<16xf32>
        %get3A_628 = arith.constant 1 : i32
        %get3A_629 = arith.index_cast %get3A_628 : i32 to index
        %get3A_630 = arith.index_cast %scan3A_577 : i32 to index
        %get3A_631 = arith.constant 32 : index
        %get3A_632 = tpu.vector_load %arg8[%get3A_629, %get3A_630, %get3A_631] {strides = array<i32>} : memref<2x128x64xi32, #tpu.memory_space<vmem>>, vector<16xi32>,
        %get3A_633 = arith.constant 1 : i32
        %get3A_634 = arith.index_cast %get3A_633 : i32 to index
        %get3A_635 = arith.index_cast %scan3A_577 : i32 to index
        %get3A_636 = arith.constant 32 : index
        %get3A_637 = tpu.vector_load %arg9[%get3A_634, %get3A_635, %get3A_636] {strides = array<i32>} : memref<2x128x64xi32, #tpu.memory_space<vmem>>, vector<16xi32>,
        %bitcast3A_638 = vector.bitcast %get3A_632 : vector<16xi32> to vector<32xbf16>
        %bitcast3A_639 = vector.bitcast %get3A_637 : vector<16xi32> to vector<32xbf16>
        %sub3A_640 = arith.subf %bitcast3A_638, %bitcast3A_639 : vector<32xbf16>
        %bitcast3A_641 = vector.bitcast %sub3A_640 : vector<32xbf16> to vector<16xi32>
        %and3A_642 = arith.andi %bitcast3A_641, %broadcast_in_dim3A_579 : vector<16xi32>
        %bitcast_convert_type3A_643 = tpu.bitcast %and3A_642 : vector<16xi32> -> vector<16xf32>
        %shift_left3A_644 = arith.constant 16 : i32
        %shift_left3A_645 = vector.broadcast %shift_left3A_644 : i32 to vector<16xi32>
        %shift_left3A_646 = arith.shli %bitcast3A_641, %shift_left3A_645 : vector<16xi32>
        %bitcast_convert_type3A_647 = tpu.bitcast %shift_left3A_646 : vector<16xi32> -> vector<16xf32>
        %mul3A_648 = arith.mulf %bitcast_convert_type3A_643, %bitcast_convert_type3A_643 : vector<16xf32>
        %add3A_649 = arith.addf %add3A_549, %mul3A_648 : vector<16xf32>
        %mul3A_650 = arith.mulf %bitcast_convert_type3A_647, %bitcast_convert_type3A_647 : vector<16xf32>
        %add3A_651 = arith.addf %add3A_551, %mul3A_650 : vector<16xf32>
        %get3A_652 = arith.constant 1 : i32
        %get3A_653 = arith.index_cast %get3A_652 : i32 to index
        %get3A_654 = arith.index_cast %scan3A_577 : i32 to index
        %get3A_655 = arith.constant 48 : index
        %get3A_656 = tpu.vector_load %arg8[%get3A_653, %get3A_654, %get3A_655] {strides = array<i32>} : memref<2x128x64xi32, #tpu.memory_space<vmem>>, vector<16xi32>,
        %get3A_657 = arith.constant 1 : i32
        %get3A_658 = arith.index_cast %get3A_657 : i32 to index
        %get3A_659 = arith.index_cast %scan3A_577 : i32 to index
        %get3A_660 = arith.constant 48 : index
        %get3A_661 = tpu.vector_load %arg9[%get3A_658, %get3A_659, %get3A_660] {strides = array<i32>} : memref<2x128x64xi32, #tpu.memory_space<vmem>>, vector<16xi32>,
        %bitcast3A_662 = vector.bitcast %get3A_656 : vector<16xi32> to vector<32xbf16>
        %bitcast3A_663 = vector.bitcast %get3A_661 : vector<16xi32> to vector<32xbf16>
        %sub3A_664 = arith.subf %bitcast3A_662, %bitcast3A_663 : vector<32xbf16>
        %bitcast3A_665 = vector.bitcast %sub3A_664 : vector<32xbf16> to vector<16xi32>
        %and3A_666 = arith.andi %bitcast3A_665, %broadcast_in_dim3A_579 : vector<16xi32>
        %bitcast_convert_type3A_667 = tpu.bitcast %and3A_666 : vector<16xi32> -> vector<16xf32>
        %shift_left3A_668 = arith.constant 16 : i32
        %shift_left3A_669 = vector.broadcast %shift_left3A_668 : i32 to vector<16xi32>
        %shift_left3A_670 = arith.shli %bitcast3A_665, %shift_left3A_669 : vector<16xi32>
        %bitcast_convert_type3A_671 = tpu.bitcast %shift_left3A_670 : vector<16xi32> -> vector<16xf32>
        %mul3A_672 = arith.mulf %bitcast_convert_type3A_667, %bitcast_convert_type3A_667 : vector<16xf32>
        %add3A_673 = arith.addf %add3A_573, %mul3A_672 : vector<16xf32>
        %mul3A_674 = arith.mulf %bitcast_convert_type3A_671, %bitcast_convert_type3A_671 : vector<16xf32>
        %add3A_675 = arith.addf %add3A_575, %mul3A_674 : vector<16xf32>
        %scan3A_676 = arith.constant 3 : i32
        %scan3A_677 = arith.addi %scan3A_375, %scan3A_676 : i32
        %broadcast_in_dim3A_678 = arith.constant -65536 : i32
        %broadcast_in_dim3A_679 = vector.broadcast %broadcast_in_dim3A_678 : i32 to vector<16xi32>
        %get3A_680 = arith.constant 1 : i32
        %get3A_681 = arith.index_cast %get3A_680 : i32 to index
        %get3A_682 = arith.index_cast %scan3A_677 : i32 to index
        %get3A_683 = arith.constant 0 : index
        %get3A_684 = tpu.vector_load %arg8[%get3A_681, %get3A_682, %get3A_683] {strides = array<i32>} : memref<2x128x64xi32, #tpu.memory_space<vmem>>, vector<16xi32>,
        %get3A_685 = arith.constant 1 : i32
        %get3A_686 = arith.index_cast %get3A_685 : i32 to index
        %get3A_687 = arith.index_cast %scan3A_677 : i32 to index
        %get3A_688 = arith.constant 0 : index
        %get3A_689 = tpu.vector_load %arg9[%get3A_686, %get3A_687, %get3A_688] {strides = array<i32>} : memref<2x128x64xi32, #tpu.memory_space<vmem>>, vector<16xi32>,
        %bitcast3A_690 = vector.bitcast %get3A_684 : vector<16xi32> to vector<32xbf16>
        %bitcast3A_691 = vector.bitcast %get3A_689 : vector<16xi32> to vector<32xbf16>
        %sub3A_692 = arith.subf %bitcast3A_690, %bitcast3A_691 : vector<32xbf16>
        %bitcast3A_693 = vector.bitcast %sub3A_692 : vector<32xbf16> to vector<16xi32>
        %and3A_694 = arith.andi %bitcast3A_693, %broadcast_in_dim3A_679 : vector<16xi32>
        %bitcast_convert_type3A_695 = tpu.bitcast %and3A_694 : vector<16xi32> -> vector<16xf32>
        %shift_left3A_696 = arith.constant 16 : i32
        %shift_left3A_697 = vector.broadcast %shift_left3A_696 : i32 to vector<16xi32>
        %shift_left3A_698 = arith.shli %bitcast3A_693, %shift_left3A_697 : vector<16xi32>
        %bitcast_convert_type3A_699 = tpu.bitcast %shift_left3A_698 : vector<16xi32> -> vector<16xf32>
        %mul3A_700 = arith.mulf %bitcast_convert_type3A_695, %bitcast_convert_type3A_695 : vector<16xf32>
        %add3A_701 = arith.addf %add3A_601, %mul3A_700 : vector<16xf32>
        %mul3A_702 = arith.mulf %bitcast_convert_type3A_699, %bitcast_convert_type3A_699 : vector<16xf32>
        %add3A_703 = arith.addf %add3A_603, %mul3A_702 : vector<16xf32>
        %get3A_704 = arith.constant 1 : i32
        %get3A_705 = arith.index_cast %get3A_704 : i32 to index
        %get3A_706 = arith.index_cast %scan3A_677 : i32 to index
        %get3A_707 = arith.constant 16 : index
        %get3A_708 = tpu.vector_load %arg8[%get3A_705, %get3A_706, %get3A_707] {strides = array<i32>} : memref<2x128x64xi32, #tpu.memory_space<vmem>>, vector<16xi32>,
        %get3A_709 = arith.constant 1 : i32
        %get3A_710 = arith.index_cast %get3A_709 : i32 to index
        %get3A_711 = arith.index_cast %scan3A_677 : i32 to index
        %get3A_712 = arith.constant 16 : index
        %get3A_713 = tpu.vector_load %arg9[%get3A_710, %get3A_711, %get3A_712] {strides = array<i32>} : memref<2x128x64xi32, #tpu.memory_space<vmem>>, vector<16xi32>,
        %bitcast3A_714 = vector.bitcast %get3A_708 : vector<16xi32> to vector<32xbf16>
        %bitcast3A_715 = vector.bitcast %get3A_713 : vector<16xi32> to vector<32xbf16>
        %sub3A_716 = arith.subf %bitcast3A_714, %bitcast3A_715 : vector<32xbf16>
        %bitcast3A_717 = vector.bitcast %sub3A_716 : vector<32xbf16> to vector<16xi32>
        %and3A_718 = arith.andi %bitcast3A_717, %broadcast_in_dim3A_679 : vector<16xi32>
        %bitcast_convert_type3A_719 = tpu.bitcast %and3A_718 : vector<16xi32> -> vector<16xf32>
        %shift_left3A_720 = arith.constant 16 : i32
        %shift_left3A_721 = vector.broadcast %shift_left3A_720 : i32 to vector<16xi32>
        %shift_left3A_722 = arith.shli %bitcast3A_717, %shift_left3A_721 : vector<16xi32>
        %bitcast_convert_type3A_723 = tpu.bitcast %shift_left3A_722 : vector<16xi32> -> vector<16xf32>
        %mul3A_724 = arith.mulf %bitcast_convert_type3A_719, %bitcast_convert_type3A_719 : vector<16xf32>
        %add3A_725 = arith.addf %add3A_625, %mul3A_724 : vector<16xf32>
        %mul3A_726 = arith.mulf %bitcast_convert_type3A_723, %bitcast_convert_type3A_723 : vector<16xf32>
        %add3A_727 = arith.addf %add3A_627, %mul3A_726 : vector<16xf32>
        %get3A_728 = arith.constant 1 : i32
        %get3A_729 = arith.index_cast %get3A_728 : i32 to index
        %get3A_730 = arith.index_cast %scan3A_677 : i32 to index
        %get3A_731 = arith.constant 32 : index
        %get3A_732 = tpu.vector_load %arg8[%get3A_729, %get3A_730, %get3A_731] {strides = array<i32>} : memref<2x128x64xi32, #tpu.memory_space<vmem>>, vector<16xi32>,
        %get3A_733 = arith.constant 1 : i32
        %get3A_734 = arith.index_cast %get3A_733 : i32 to index
        %get3A_735 = arith.index_cast %scan3A_677 : i32 to index
        %get3A_736 = arith.constant 32 : index
        %get3A_737 = tpu.vector_load %arg9[%get3A_734, %get3A_735, %get3A_736] {strides = array<i32>} : memref<2x128x64xi32, #tpu.memory_space<vmem>>, vector<16xi32>,
        %bitcast3A_738 = vector.bitcast %get3A_732 : vector<16xi32> to vector<32xbf16>
        %bitcast3A_739 = vector.bitcast %get3A_737 : vector<16xi32> to vector<32xbf16>
        %sub3A_740 = arith.subf %bitcast3A_738, %bitcast3A_739 : vector<32xbf16>
        %bitcast3A_741 = vector.bitcast %sub3A_740 : vector<32xbf16> to vector<16xi32>
        %and3A_742 = arith.andi %bitcast3A_741, %broadcast_in_dim3A_679 : vector<16xi32>
        %bitcast_convert_type3A_743 = tpu.bitcast %and3A_742 : vector<16xi32> -> vector<16xf32>
        %shift_left3A_744 = arith.constant 16 : i32
        %shift_left3A_745 = vector.broadcast %shift_left3A_744 : i32 to vector<16xi32>
        %shift_left3A_746 = arith.shli %bitcast3A_741, %shift_left3A_745 : vector<16xi32>
        %bitcast_convert_type3A_747 = tpu.bitcast %shift_left3A_746 : vector<16xi32> -> vector<16xf32>
        %mul3A_748 = arith.mulf %bitcast_convert_type3A_743, %bitcast_convert_type3A_743 : vector<16xf32>
        %add3A_749 = arith.addf %add3A_649, %mul3A_748 : vector<16xf32>
        %mul3A_750 = arith.mulf %bitcast_convert_type3A_747, %bitcast_convert_type3A_747 : vector<16xf32>
        %add3A_751 = arith.addf %add3A_651, %mul3A_750 : vector<16xf32>
        %get3A_752 = arith.constant 1 : i32
        %get3A_753 = arith.index_cast %get3A_752 : i32 to index
        %get3A_754 = arith.index_cast %scan3A_677 : i32 to index
        %get3A_755 = arith.constant 48 : index
        %get3A_756 = tpu.vector_load %arg8[%get3A_753, %get3A_754, %get3A_755] {strides = array<i32>} : memref<2x128x64xi32, #tpu.memory_space<vmem>>, vector<16xi32>,
        %get3A_757 = arith.constant 1 : i32
        %get3A_758 = arith.index_cast %get3A_757 : i32 to index
        %get3A_759 = arith.index_cast %scan3A_677 : i32 to index
        %get3A_760 = arith.constant 48 : index
        %get3A_761 = tpu.vector_load %arg9[%get3A_758, %get3A_759, %get3A_760] {strides = array<i32>} : memref<2x128x64xi32, #tpu.memory_space<vmem>>, vector<16xi32>,
        %bitcast3A_762 = vector.bitcast %get3A_756 : vector<16xi32> to vector<32xbf16>
        %bitcast3A_763 = vector.bitcast %get3A_761 : vector<16xi32> to vector<32xbf16>
        %sub3A_764 = arith.subf %bitcast3A_762, %bitcast3A_763 : vector<32xbf16>
        %bitcast3A_765 = vector.bitcast %sub3A_764 : vector<32xbf16> to vector<16xi32>
        %and3A_766 = arith.andi %bitcast3A_765, %broadcast_in_dim3A_679 : vector<16xi32>
        %bitcast_convert_type3A_767 = tpu.bitcast %and3A_766 : vector<16xi32> -> vector<16xf32>
        %shift_left3A_768 = arith.constant 16 : i32
        %shift_left3A_769 = vector.broadcast %shift_left3A_768 : i32 to vector<16xi32>
        %shift_left3A_770 = arith.shli %bitcast3A_765, %shift_left3A_769 : vector<16xi32>
        %bitcast_convert_type3A_771 = tpu.bitcast %shift_left3A_770 : vector<16xi32> -> vector<16xf32>
        %mul3A_772 = arith.mulf %bitcast_convert_type3A_767, %bitcast_convert_type3A_767 : vector<16xf32>
        %add3A_773 = arith.addf %add3A_673, %mul3A_772 : vector<16xf32>
        %mul3A_774 = arith.mulf %bitcast_convert_type3A_771, %bitcast_convert_type3A_771 : vector<16xf32>
        %add3A_775 = arith.addf %add3A_675, %mul3A_774 : vector<16xf32>
        scf.yield %add3A_701, %add3A_703, %add3A_725, %add3A_727, %add3A_749, %add3A_751, %add3A_773, %add3A_775 : vector<16xf32>, vector<16xf32>, vector<16xf32>, vector<16xf32>, vector<16xf32>, vector<16xf32>, vector<16xf32>, vector<16xf32>
      }
      %scan3A_361 = arith.constant 128 : i32
      %add3A_362 = arith.addf %scan3A_360#0, %scan3A_360#1 : vector<16xf32>
      %add3A_363 = arith.addf %scan3A_360#2, %scan3A_360#3 : vector<16xf32>
      %add3A_364 = arith.addf %add3A_362, %add3A_363 : vector<16xf32>
      %add3A_365 = arith.addf %scan3A_360#4, %scan3A_360#5 : vector<16xf32>
      %add3A_366 = arith.addf %scan3A_360#6, %scan3A_360#7 : vector<16xf32>
      %add3A_367 = arith.addf %add3A_365, %add3A_366 : vector<16xf32>
      %add3A_368 = arith.addf %add3A_364, %add3A_367 : vector<16xf32>
      %add3A_369 = arith.addf %add3A_301, %add3A_368 : vector<16xf32>
      %lt3A_370 = arith.constant 80 : i32
      %lt3A_371 = arith.cmpi slt, %add3A_310, %lt3A_370 : i32
      %convert_element_type3A_372 = arith.extui %lt3A_371 : i1 to i32
      %cond3A_373 = arith.constant 0 : i32
      %cond3A_374 = arith.cmpi ne, %convert_element_type3A_372, %cond3A_373 : i32
      scf.if %cond3A_374 {
        %dma_wait3A_375 = arith.constant 1 : i32
        %dma_wait3A_376 = arith.constant 0 : i32
        %dma_wait3A_377 = tpu.memref_slice %arg6[%dma_wait3A_375, %dma_wait3A_376] : memref<2x128xi32, #tpu.memory_space<vmem>> -> memref<1x128xi32, #tpu.memory_space<vmem>>
        %dma_wait3A_378 = tpu.memref_squeeze %dma_wait3A_377 : memref<1x128xi32, #tpu.memory_space<vmem>> -> memref<128xi32, #tpu.memory_space<vmem>>
        %dma_wait3A_379 = arith.constant 0 : i32
        %dma_wait3A_380 = arith.constant 0 : i32
        %dma_wait3A_381 = tpu.memref_slice %arg2[%add3A, %dma_wait3A_379, %dma_wait3A_380] : memref<32x80x128xi32, #tpu.memory_space<hbm>> -> memref<1x80x128xi32, #tpu.memory_space<hbm>>
        %dma_wait3A_382 = tpu.memref_squeeze %dma_wait3A_381 : memref<1x80x128xi32, #tpu.memory_space<hbm>> -> memref<80x128xi32, #tpu.memory_space<hbm>>
        %dma_wait3A_383 = arith.constant 0 : i32
        %dma_wait3A_384 = tpu.memref_slice %dma_wait3A_382[%add3A_310, %dma_wait3A_383] : memref<80x128xi32, #tpu.memory_space<hbm>> -> memref<1x128xi32, #tpu.memory_space<hbm>>
        %dma_wait3A_385 = tpu.memref_squeeze %dma_wait3A_384 : memref<1x128xi32, #tpu.memory_space<hbm>> -> memref<128xi32, #tpu.memory_space<hbm>>
        %dma_wait3A_386 = arith.constant 0 : i32
        %dma_wait3A_387 = tpu.memref_slice %arg6[%dma_wait3A_375, %dma_wait3A_386] : memref<2x128xi32, #tpu.memory_space<vmem>> -> memref<1x128xi32, #tpu.memory_space<vmem>>
        %dma_wait3A_388 = tpu.memref_squeeze %dma_wait3A_387 : memref<1x128xi32, #tpu.memory_space<vmem>> -> memref<128xi32, #tpu.memory_space<vmem>>
        %dma_wait3A_389 = arith.constant 0 : i32
        %dma_wait3A_390 = arith.constant 0 : i32
        %dma_wait3A_391 = tpu.memref_slice %arg2[%add3A, %dma_wait3A_389, %dma_wait3A_390] : memref<32x80x128xi32, #tpu.memory_space<hbm>> -> memref<1x80x128xi32, #tpu.memory_space<hbm>>
        %dma_wait3A_392 = tpu.memref_squeeze %dma_wait3A_391 : memref<1x80x128xi32, #tpu.memory_space<hbm>> -> memref<80x128xi32, #tpu.memory_space<hbm>>
        %dma_wait3A_393 = arith.constant 0 : i32
        %dma_wait3A_394 = tpu.memref_slice %dma_wait3A_392[%add3A_310, %dma_wait3A_393] : memref<80x128xi32, #tpu.memory_space<hbm>> -> memref<1x128xi32, #tpu.memory_space<hbm>>
        %dma_wait3A_395 = tpu.memref_squeeze %dma_wait3A_394 : memref<1x128xi32, #tpu.memory_space<hbm>> -> memref<128xi32, #tpu.memory_space<hbm>>
        tpu.wait_dma2 semaphore(%arg14 : memref<!tpu.dma_semaphore, #tpu.memory_space<semaphore_mem>>) src(%dma_wait3A_395 : memref<128xi32, #tpu.memory_space<hbm>>) dst(%dma_wait3A_388 : memref<128xi32, #tpu.memory_space<vmem>>)
        %dma_wait3A_396 = arith.constant 1 : i32
        %dma_wait3A_397 = arith.constant 0 : i32
        %dma_wait3A_398 = tpu.memref_slice %arg7[%dma_wait3A_396, %dma_wait3A_397] : memref<2x128xi32, #tpu.memory_space<vmem>> -> memref<1x128xi32, #tpu.memory_space<vmem>>
        %dma_wait3A_399 = tpu.memref_squeeze %dma_wait3A_398 : memref<1x128xi32, #tpu.memory_space<vmem>> -> memref<128xi32, #tpu.memory_space<vmem>>
        %dma_wait3A_400 = arith.constant 0 : i32
        %dma_wait3A_401 = arith.constant 0 : i32
        %dma_wait3A_402 = tpu.memref_slice %arg3[%add3A, %dma_wait3A_400, %dma_wait3A_401] : memref<32x80x128xi32, #tpu.memory_space<hbm>> -> memref<1x80x128xi32, #tpu.memory_space<hbm>>
        %dma_wait3A_403 = tpu.memref_squeeze %dma_wait3A_402 : memref<1x80x128xi32, #tpu.memory_space<hbm>> -> memref<80x128xi32, #tpu.memory_space<hbm>>
        %dma_wait3A_404 = arith.constant 0 : i32
        %dma_wait3A_405 = tpu.memref_slice %dma_wait3A_403[%add3A_310, %dma_wait3A_404] : memref<80x128xi32, #tpu.memory_space<hbm>> -> memref<1x128xi32, #tpu.memory_space<hbm>>
        %dma_wait3A_406 = tpu.memref_squeeze %dma_wait3A_405 : memref<1x128xi32, #tpu.memory_space<hbm>> -> memref<128xi32, #tpu.memory_space<hbm>>
        %dma_wait3A_407 = arith.constant 0 : i32
        %dma_wait3A_408 = tpu.memref_slice %arg7[%dma_wait3A_396, %dma_wait3A_407] : memref<2x128xi32, #tpu.memory_space<vmem>> -> memref<1x128xi32, #tpu.memory_space<vmem>>
        %dma_wait3A_409 = tpu.memref_squeeze %dma_wait3A_408 : memref<1x128xi32, #tpu.memory_space<vmem>> -> memref<128xi32, #tpu.memory_space<vmem>>
        %dma_wait3A_410 = arith.constant 0 : i32
        %dma_wait3A_411 = arith.constant 0 : i32
        %dma_wait3A_412 = tpu.memref_slice %arg3[%add3A, %dma_wait3A_410, %dma_wait3A_411] : memref<32x80x128xi32, #tpu.memory_space<hbm>> -> memref<1x80x128xi32, #tpu.memory_space<hbm>>
        %dma_wait3A_413 = tpu.memref_squeeze %dma_wait3A_412 : memref<1x80x128xi32, #tpu.memory_space<hbm>> -> memref<80x128xi32, #tpu.memory_space<hbm>>
        %dma_wait3A_414 = arith.constant 0 : i32
        %dma_wait3A_415 = tpu.memref_slice %dma_wait3A_413[%add3A_310, %dma_wait3A_414] : memref<80x128xi32, #tpu.memory_space<hbm>> -> memref<1x128xi32, #tpu.memory_space<hbm>>
        %dma_wait3A_416 = tpu.memref_squeeze %dma_wait3A_415 : memref<1x128xi32, #tpu.memory_space<hbm>> -> memref<128xi32, #tpu.memory_space<hbm>>
        tpu.wait_dma2 semaphore(%arg14 : memref<!tpu.dma_semaphore, #tpu.memory_space<semaphore_mem>>) src(%dma_wait3A_416 : memref<128xi32, #tpu.memory_space<hbm>>) dst(%dma_wait3A_409 : memref<128xi32, #tpu.memory_space<vmem>>)
        %dma_start3A_417 = arith.constant 1 : i32
        %dma_start3A_418 = arith.constant 1 : i32
        %dma_start3A_419 = arith.constant 0 : i32
        %dma_start3A_420 = arith.constant 0 : i32
        %dma_start3A_421 = tpu.memref_slice %arg8[%dma_start3A_418, %dma_start3A_419, %dma_start3A_420] : memref<2x128x64xi32, #tpu.memory_space<vmem>> -> memref<1x128x64xi32, #tpu.memory_space<vmem>>
        %dma_start3A_422 = tpu.memref_squeeze %dma_start3A_421 : memref<1x128x64xi32, #tpu.memory_space<vmem>> -> memref<128x64xi32, #tpu.memory_space<vmem>>
        %dma_start3A_423 = arith.constant 0 : i32
        %dma_start3A_424 = tpu.memref_slice %arg6[%dma_start3A_417, %dma_start3A_423] : memref<2x128xi32, #tpu.memory_space<vmem>> -> memref<1x128xi32, #tpu.memory_space<vmem>>
        %dma_start3A_425 = tpu.memref_squeeze %dma_start3A_424 : memref<1x128xi32, #tpu.memory_space<vmem>> -> memref<128xi32, #tpu.memory_space<vmem>>
        %dma_start3A_426 = arith.constant 0 : i32
        %dma_start3A_427 = arith.constant 0 : i32
        %dma_start3A_428 = tpu.memref_slice %arg11[%dma_start3A_426, %dma_start3A_427] : memref<10000x64xi32, #tpu.memory_space<vmem_shared>> -> memref<10000x64xi32, #tpu.memory_space<vmem_shared>>
        tpu.enqueue_indirect_dma source(%dma_start3A_428 : memref<10000x64xi32, #tpu.memory_space<vmem_shared>>) target(%dma_start3A_422 : memref<128x64xi32, #tpu.memory_space<vmem>>) offsets(%dma_start3A_425 : memref<128xi32, #tpu.memory_space<vmem>>) semaphore(%arg13 : memref<!tpu.dma_semaphore, #tpu.memory_space<semaphore_mem>>)
        %dma_start3A_429 = arith.constant 1 : i32
        %dma_start3A_430 = arith.constant 1 : i32
        %dma_start3A_431 = arith.constant 0 : i32
        %dma_start3A_432 = arith.constant 0 : i32
        %dma_start3A_433 = tpu.memref_slice %arg9[%dma_start3A_430, %dma_start3A_431, %dma_start3A_432] : memref<2x128x64xi32, #tpu.memory_space<vmem>> -> memref<1x128x64xi32, #tpu.memory_space<vmem>>
        %dma_start3A_434 = tpu.memref_squeeze %dma_start3A_433 : memref<1x128x64xi32, #tpu.memory_space<vmem>> -> memref<128x64xi32, #tpu.memory_space<vmem>>
        %dma_start3A_435 = arith.constant 0 : i32
        %dma_start3A_436 = tpu.memref_slice %arg7[%dma_start3A_429, %dma_start3A_435] : memref<2x128xi32, #tpu.memory_space<vmem>> -> memref<1x128xi32, #tpu.memory_space<vmem>>
        %dma_start3A_437 = tpu.memref_squeeze %dma_start3A_436 : memref<1x128xi32, #tpu.memory_space<vmem>> -> memref<128xi32, #tpu.memory_space<vmem>>
        %dma_start3A_438 = arith.constant 0 : i32
        %dma_start3A_439 = arith.constant 0 : i32
        %dma_start3A_440 = tpu.memref_slice %arg11[%dma_start3A_438, %dma_start3A_439] : memref<10000x64xi32, #tpu.memory_space<vmem_shared>> -> memref<10000x64xi32, #tpu.memory_space<vmem_shared>>
        tpu.enqueue_indirect_dma source(%dma_start3A_440 : memref<10000x64xi32, #tpu.memory_space<vmem_shared>>) target(%dma_start3A_434 : memref<128x64xi32, #tpu.memory_space<vmem>>) offsets(%dma_start3A_437 : memref<128xi32, #tpu.memory_space<vmem>>) semaphore(%arg13 : memref<!tpu.dma_semaphore, #tpu.memory_space<semaphore_mem>>)
      } else {
      }
      scf.yield %add3A_369 : vector<16xf32>
    }
    %scan3A_234 = arith.constant 40 : i32
    %swap3A = arith.constant 0 : index
    %swap3A_235 = tpu.vector_load %arg10[%swap3A] {strides = array<i32>} : memref<16xf32, #tpu.memory_space<vmem>>, vector<16xf32>,
    tpu.vector_store %arg10[%swap3A], %scan3A_233 {strides = array<i32>} : memref<16xf32, #tpu.memory_space<vmem>>, vector<16xf32>,
    "tpu.region"() ({
      %run_scoped3A = tpu.sem_alloc : memref<!tpu.dma_semaphore, #tpu.memory_space<semaphore_mem>>
      %dma_start3A_236 = arith.constant 0 : i32
      %dma_start3A_237 = tpu.memref_slice %arg5[%add3A, %dma_start3A_236] : memref<32x16xf32, #tpu.memory_space<hbm>> -> memref<1x16xf32, #tpu.memory_space<hbm>>
      %dma_start3A_238 = tpu.memref_squeeze %dma_start3A_237 : memref<1x16xf32, #tpu.memory_space<hbm>> -> memref<16xf32, #tpu.memory_space<hbm>>
      %dma_start3A_239 = arith.constant 0 : i32
      %dma_start3A_240 = tpu.memref_slice %arg5[%add3A, %dma_start3A_239] : memref<32x16xf32, #tpu.memory_space<hbm>> -> memref<1x16xf32, #tpu.memory_space<hbm>>
      %dma_start3A_241 = tpu.memref_squeeze %dma_start3A_240 : memref<1x16xf32, #tpu.memory_space<hbm>> -> memref<16xf32, #tpu.memory_space<hbm>>
      tpu.enqueue_dma source(%arg10 : memref<16xf32, #tpu.memory_space<vmem>>) target(%dma_start3A_241 : memref<16xf32, #tpu.memory_space<hbm>>) target_semaphore(%run_scoped3A : memref<!tpu.dma_semaphore, #tpu.memory_space<semaphore_mem>>)
      %dma_wait3A_242 = arith.constant 0 : i32
      %dma_wait3A_243 = tpu.memref_slice %arg5[%add3A, %dma_wait3A_242] : memref<32x16xf32, #tpu.memory_space<hbm>> -> memref<1x16xf32, #tpu.memory_space<hbm>>
      %dma_wait3A_244 = tpu.memref_squeeze %dma_wait3A_243 : memref<1x16xf32, #tpu.memory_space<hbm>> -> memref<16xf32, #tpu.memory_space<hbm>>
      %dma_wait3A_245 = arith.constant 0 : i32
      %dma_wait3A_246 = tpu.memref_slice %arg5[%add3A, %dma_wait3A_245] : memref<32x16xf32, #tpu.memory_space<hbm>> -> memref<1x16xf32, #tpu.memory_space<hbm>>
      %dma_wait3A_247 = tpu.memref_squeeze %dma_wait3A_246 : memref<1x16xf32, #tpu.memory_space<hbm>> -> memref<16xf32, #tpu.memory_space<hbm>>
      tpu.wait_dma2 semaphore(%run_scoped3A : memref<!tpu.dma_semaphore, #tpu.memory_space<semaphore_mem>>) src(%arg10 : memref<16xf32, #tpu.memory_space<vmem>>) dst(%dma_wait3A_247 : memref<16xf32, #tpu.memory_space<hbm>>)
      tpu.yield
    }) : () -> ()
    return
  }
}

</mosaic_0001>

<sc_bundles>
// kernel: kernel.3.cloned.1.call-start
scs
__scs_entry_jumppad:
0x0: {  	(pc) =	sbr.rel $0x88, $3  }
0x1: {  	(tag) =	ssettag $0x0;
	lr =	simm.s32 $0x1  }
0x2: {  	[smem:$0x3F9F] =	sst lr;
	_ =	strace $0xD0000000  }
0x3: {  	_ = 	snop  }
0x4: {  	_ = 	snop  }
0x5: {  	_ = 	snop  }
0x6: {  	_ = 	snop  }
0x7: {  	_ = 	snop  }
__scs_overlays_trampoline_lowered:
0x8: {  	[smem:$0x3FAE] =	sst s0  }
0x9: {  	[smem:$0x3FAF] =	sst s1  }
0xa: {  	[smem:$0x3FB0] =	sst s2  }
0xb: {  	[smem:$0x3FB1] =	sst s3  }
0xc: {  	[smem:$0x3FB2] =	sst s4  }
0xd: {  	[smem:$0x3FB3] =	sst s5  }
0xe: {  	[smem:$0x3FB4] =	sst s6  }
0xf: {  	[smem:$0x3FB5] =	sst s7  }
0x10: {  	[smem:$0x3FB6] =	sst s8  }
0x11: {  	[smem:$0x3FB7] =	sst s9;
	s0 =	simm.s32 @!p0 $0x0  }
0x12: {  	s1 =	sld [smem:$0x3F9D];
	s0 =	simm.s32 @p0 $0x1  }
0x13: {  	[smem:$0x3FB8] =	sst s0;
	s0 =	simm.s32 @!p1 $0x0  }
0x14: {  	s2 =	sld [smem:$0x3F9C];
	s0 =	simm.s32 @p1 $0x1  }
0x15: {  	[smem:$0x3FB9] =	sst s0;
	s0 =	simm.s32 @!p2 $0x0  }
0x16: {  	s3 =	sld [smem:$0x3FDB];
	s0 =	simm.s32 @p2 $0x1  }
0x17: {  	s4 =	simm.s32 $0x1BF5;
	[smem:$0x3FBB] =	sst s0  }
0x18: {  	s0 =	sld [smem:$0x3F9E];
	_ =	swait.ge [sflag:s4], $0x0  }
0x19: {  	s7 =	sld [smem:$0x3F9F]  }
0x1a: {  	s8 =	sadd.s32 $0xFFFFE003, lr  }
0x1b: {  	s9 =	sadd.s32 $0xFFFFFEF7, lr;
	s5 =	simm.s32 $0xFFFFFFFF;
	p2 =	slt.u32 s8, $0xFFFFF086  }
0x1c: {  	p1 =	slt.u32 s9, $0xF7A;
	s5 =	simm.s32 @!p2 $0x0  }
0x1d: {  	s5 =	simm.s32 @p1 $0x1;
	p0 =	seq.s32 s7, s2  }
0x1e: {  	s7 =	smul.u32 @!p0 $0xF7A, s2;
	p2 =	seq.s32 @!p0 s5, $0x0  }
0x1f: {  	s9 =	smul.u32 $0xF7A, s1;
	s8 =	simm.s32 @!p0 $0x1BF5;
	p2 =	por !p2, p0  }
0x20: {  	[sflag:s8] =	ssyncset.s32 @!p0 $0xFFFFF086;
	s6 =	sadd.s32 @!p0 s3, s7;
	s7 =	simm.s32 @!p0 $0x108  }
0x21: {  	s3 =	sadd.s32 s3, s9;
	s6 =	sadd.s32 @!p0 $0x88, s6;
	s7 =	simm.s32 @p2 $0x1082  }
0x22: {  	[simem:s7], [sflag:s8] =	dma.local @!p0 [hbm:s6], $0xF7A  }
0x23: {  	s9 =	sor.u32 $0xD0000000, s2;
	s6 =	simm.s32 $0x108;
	_ =	swait.ge @!p0 [sflag:s8], $0x0  }
0x24: {  	s3 =	sadd.s32 $0x88, s3;
	s6 =	simm.s32 @!p1 $0x1082;
	[sflag:s4] =	ssyncset.s32 $0xFFFFF086  }
0x25: {  	[simem:s6], [sflag:s4] =	dma.local [hbm:s3], $0xF7A  }
0x26: {  	[smem:$0x3F9F] =	sst s1;
	(tag) =	ssettag s2;
	_ =	strace s9  }
0x27: {  	s1 =	sld [smem:$0x3FAF]  }
0x28: {  	s2 =	sld [smem:$0x3FB0]  }
0x29: {  	s4 =	sld [smem:$0x3FB2]  }
0x2a: {  	p0 =	seq.s32 s5, $0x0;
	s5 =	sld [smem:$0x3FB3]  }
0x2b: {  	s6 =	sld [smem:$0x3FB4]  }
0x2c: {  	s7 =	sld [smem:$0x3FB5]  }
0x2d: {  	s3 =	simm.s32 $0x108;
	s8 =	sld [smem:$0x3FB6]  }
0x2e: {  	s3 =	simm.s32 @!p0 $0x1082;
	s9 =	sld [smem:$0x3FB7]  }
0x2f: {  	lr =	sadd.s32 s0, s3;
	s0 =	sld [smem:$0x3FAE]  }
0x30: {  	s3 =	sld [smem:$0x3FB1]  }
0x31: {  	[smem:$0x3FBA] =	sst s10  }
0x32: {  	s10 =	sld [smem:$0x3FB8];
	_ =	sdelay $0x3  }
0x33: {  	p0 =	seq.s32 s10, $0x1;
	s10 =	sld [smem:$0x3FBA];
	_ =	sdelay $0x3  }
0x34: {  	[smem:$0x3FBA] =	sst s10  }
0x35: {  	s10 =	sld [smem:$0x3FB9];
	_ =	sdelay $0x3  }
0x36: {  	p1 =	seq.s32 s10, $0x1;
	s10 =	sld [smem:$0x3FBA];
	_ =	sdelay $0x3  }
0x37: {  	[smem:$0x3FBA] =	sst s10  }
0x38: {  	s10 =	sld [smem:$0x3FBB]  }
0x39: {  	_ = 	snop;
	(pc) =	sbr.ind lr, $3  }
0x3a: {  	_ = 	snop  }
0x3b: {  	_ = 	snop  }
0x3c: {  	p2 =	seq.s32 s10, $0x1;
	s10 =	sld [smem:$0x3FBA]  }
0x3d: {  	_ =	shalt  }
0x3e: {  	_ =	shalt  }
0x3f: {  	_ =	shalt  }
0x40: {  	_ =	shalt  }
0x41: {  	_ =	shalt  }
0x42: {  	_ =	shalt  }
0x43: {  	_ =	shalt  }
0x44: {  	_ =	shalt  }
0x45: {  	_ =	shalt  }
0x46: {  	_ =	shalt  }
0x47: {  	_ =	shalt  }
0x48: {  	_ =	shalt  }
0x49: {  	_ =	shalt  }
0x4a: {  	_ =	shalt  }
0x4b: {  	_ =	shalt  }
0x4c: {  	_ =	shalt  }
0x4d: {  	_ =	shalt  }
0x4e: {  	_ =	shalt  }
0x4f: {  	_ =	shalt  }
0x50: {  	_ =	shalt  }
0x51: {  	_ =	shalt  }
0x52: {  	_ =	shalt  }
0x53: {  	_ =	shalt  }
0x54: {  	_ =	shalt  }
0x55: {  	_ =	shalt  }
0x56: {  	_ =	shalt  }
0x57: {  	_ =	shalt  }
0x58: {  	_ =	shalt  }
0x59: {  	_ =	shalt  }
0x5a: {  	_ =	shalt  }
0x5b: {  	_ =	shalt  }
0x5c: {  	_ =	shalt  }
0x5d: {  	_ =	shalt  }
0x5e: {  	_ =	shalt  }
0x5f: {  	_ =	shalt  }
0x60: {  	_ =	shalt  }
0x61: {  	_ =	shalt  }
0x62: {  	_ =	shalt  }
0x63: {  	_ =	shalt  }
0x64: {  	_ =	shalt  }
0x65: {  	_ =	shalt  }
0x66: {  	_ =	shalt  }
0x67: {  	_ =	shalt  }
0x68: {  	_ =	shalt  }
0x69: {  	_ =	shalt  }
0x6a: {  	_ =	shalt  }
0x6b: {  	_ =	shalt  }
0x6c: {  	_ =	shalt  }
0x6d: {  	_ =	shalt  }
0x6e: {  	_ =	shalt  }
0x6f: {  	_ =	shalt  }
0x70: {  	_ =	shalt  }
0x71: {  	_ =	shalt  }
0x72: {  	_ =	shalt  }
0x73: {  	_ =	shalt  }
0x74: {  	_ =	shalt  }
0x75: {  	_ =	shalt  }
0x76: {  	_ =	shalt  }
0x77: {  	_ =	shalt  }
0x78: {  	_ =	shalt  }
0x79: {  	_ =	shalt  }
0x7a: {  	_ =	shalt  }
0x7b: {  	_ =	shalt  }
0x7c: {  	_ =	shalt  }
0x7d: {  	_ =	shalt  }
0x7e: {  	_ =	shalt  }
0x7f: {  	_ =	shalt  }
0x80: {  	_ =	shalt  }
0x81: {  	_ =	shalt  }
0x82: {  	_ =	shalt  }
0x83: {  	_ =	shalt  }
0x84: {  	_ =	shalt  }
0x85: {  	_ =	shalt  }
0x86: {  	_ =	shalt  }
0x87: {  	_ =	shalt  }
.Lfunc_end0:
.L_simem_size_0:
called_computation_lowered:
.L_overlay_start_0:
0x88: {  	s2 =	sld [smem:$0x3FD9]  }
0x89: {  	s3 =	sld [smem:$0x3FFE];
	_ =	sdelay $0x1  }
0x8a: {  	s1 =	srdreg.scid  }
0x8b: {  	s0 =	sand.u32 $0x1, s1  }
0x8c: {  	s16 =	sshll.u32 s0, $0xA;
	s2 =	sadd.s32 s3, s2  }
0x8d: {  	s2 =	sadd.s32 s2, s16  }
0x8e: {  	[smem:$0x3FC6] =	sst s2  }
0x8f: {  	_ = 	snop  }
0x90: {  	(tm) =	ssettm $0x1  }
0x91: {  	s17 =	sld [smem:$0x3FFB];
	_ =	sdelay $0x3  }
0x92: {  	_ =	strace s17  }
0x93: {  	s2 =	sld [smem:$0x3FFC];
	_ =	sdelay $0x3  }
0x94: {  	_ =	strace s2  }
0x95: {  	s2 =	sld [smem:$0x3FFD];
	_ =	sdelay $0x3  }
0x96: {  	_ =	strace s2  }
0x97: {  	_ =	strace $0x8FFFFFFF  }
0x98: {  	s18 =	sld [smem:$0x3FDB];
	_ =	sdelay $0x1  }
0x99: {  	s19 =	simm.s32 $_scs_section_size  }
0x9a: {  	s4 =	simm.s32 $_size__tile_overlayer_lowered;
	s5 =	simm.s32 $_tile_overlayer_lowered  }
0x9b: {  	s22 =	simm.s32 $0x1BFF;
	s21 =	sshll.u32 s5, $0x1;
	s2 =	sadd.s32 s19, s18  }
0x9c: {  	s6 =	simm.s32 $0x0;
	s20 =	sshll.u32 s4, $0x1;
	s4 =	sadd.s32 s21, s2  }
0x9d: {  	[timem:s6], [sflag:s22] =	dma.local [hbm:s4], s20  }
0x9e: {  	_ =	swait.ge [sflag:s22], s20  }
0x9f: {  	s3 =	ssub.s32 $0x0, s20;
	[sflag:s22] =	ssyncset.done $0x0  }
0xa0: {  	[sflag:s22] =	ssyncadd.s32 s3;
	_ =	sdelay $0x1  }
0xa1: {  	s23 =	simm.s32 $0x1B8B  }
0xa2: {  	_ =	swait.ge [sflag:s23], $0x1  }
0xa3: {  	[sflag:s23] =	ssyncset.done $0x0  }
0xa4: {  	s25 =	simm.s32 $0x1B8E;
	s24 =	sld [smem:$0x3FFE];
	[sflag:s23] =	ssyncadd.s32 $0xFFFFFFFF  }
0xa5: {  	s26 =	simm.s32 $execute0_lowered;
	[smem:$0x3FD2] =	sst s25  }
0xa6: {  	s4 =	sshll.u32 s26, $0x1;
	_ =	strace $0x80000046;
	[dreg:$0x1] =	wrdreg $0xFFFFFFFF  }
0xa7: {  	s28 =	simm.s32 $_size_execute0_lowered;
	s2 =	sadd.s32 s2, s4;
	[dreg:$0x0] =	wrdreg $0x0  }
0xa8: {  	s4 =	sshll.u32 s28, $0x1;
	[dreg:$0x2] =	wrdreg s2  }
0xa9: {  	[dreg:$0x3] =	wrdreg s4  }
0xaa: {  	[dreg:$0x4] =	wrdreg $0xC0  }
0xab: {  	_ =	task [dreg:s6], $0x5FFFF  }
0xac: {  	[dreg:$0x1] =	wrdreg $0xFFFFFFFF  }
0xad: {  	[dreg:$0x0] =	wrdreg $0x60  }
0xae: {  	[dreg:$0x2] =	wrdreg s24  }
0xaf: {  	[dreg:$0x3] =	wrdreg $0x82100  }
0xb0: {  	[dreg:$0x4] =	wrdreg $0x9  }
0xb1: {  	_ =	task.clear_ibuf [dreg:s6], $0x5FFFF;
	_ =	strace $0x90000046  }
0xb2: {  	s29 =	simm.s32 $0x9;
	_ =	strace $0x80000048  }
0xb3: {  	_ =	swait.ge [sflag:s29], $0x1  }
0xb4: {  	[sflag:s29] =	ssyncadd.s32 $0xFFFFFFFF  }
0xb5: {  	_ =	strace $0x90000048  }
0xb6: {  	_ =	sfence  }
0xb7: {  	s30 =	sld [smem:$0x0];
	_ =	sdelay $0x2  }
0xb8: {  	s31 =	sshll.u32 s1, $0xD;
	s1 =	sshrl.u32 s1, $0x2  }
0xb9: {  	s3 =	sand.u32 $0x4000, s31;
	s1 =	sadd.s32 s1, s30  }
0xba: {  	s0 =	sor.u32 s3, s0;
	s1 =	sshll.u32 s1, $0x11  }
0xbb: {  	s0 =	sor.u32 s1, s0  }
0xbc: {  	s0 =	sadd.s32 $0x8F2B, s0  }
0xbd: {  	[sflag:s0] =	ssyncadd.remote.s32 $0x1  }
0xbe: {  	_ =	sfence.sel $0xFFFF  }
0xbf: {  	[dreg:$0x0] =	wrdreg $0xFFFFFFFF;
	(pc) =	sbr.abs _section_cstart, $3  }
0xc0: {  	[dreg:$0x1] =	wrdreg $0xFFFFFFFF  }
0xc1: {  	_ =	task.clear_ibuf [dreg:s6], $0x2FFFF;
	_ =	strace $0x9FFFFFFF  }
0xc2: {  	(tm) =	ssettm $0x7FFFFFFF  }
0xc3: {  	_ =	shalt  }
tec
execute0_lowered:
.L_overlay_start_1:
0x0: {  	(tag) =	ssettag $0x1  }
0x1: {  	s0 =	rddreg [dreg:$0x0]  }
0x2: {  	s2 =	rddreg [dreg:$0x1];
	s1 =	srdreg.scid  }
0x3: {  	s10 =	stileid.u32;
	s3 =	simm.s32 $0x0;
	s28 =	simm.s32 $0x100  }
0x4: {  	s29 =	simm.s32 $0x80;
	s30 =	simm.s32 $0x180;
	s31 =	simm.s32 $0x3  }
0x5: {  	s1 =	sand.u32 $0x1, s1;
	s4 =	sshll.u32 s10, $0x1;
	[smem:$0x7FF] =	sst s3  }
0x6: {  	s6 =	sadd.s32 $0xA000, s0;
	s9 =	smul.u32 $0x1400, s10;
	s13 =	sor.u32 $0x70, s10  }
0x7: {  	s4 =	sor.u32 s1, s4;
	_ =	strace $0x80000047;
	s10 =	smul.u32 $0x1400, s13  }
0x8: {  	s1 =	ssub.s32 $0x2, s1;
	p0 =	sgt.u32 s13, $0x7C;
	s5 =	smul.u32 $0x500, s4  }
0x9: {  	s7 =	sshll.u32 s4, $0x1;
	s8 =	sshrl.u32 s1, $0x1;
	s19 =	sshrl.u32 s9, $0x3  }
0xa: {  	s20 =	sadd.s32 $0x14000, s9;
	s22 =	sadd.s32 s9, s2;
	s23 =	sadd.s32 $0x28000, s9  }
0xb: {  	s26 =	sadd.s32 $0x3C000, s9;
	s12 =	sadd.s32 $0x64000, s9;
	s1 =	ssub.s32 s1, s8  }
0xc: {  	s21 =	sshrl.u32 s20, $0x3;
	[dreg:$0x6] =	wrdreg s22;
	s24 =	sadd.s32 s20, s2  }
0xd: {  	s25 =	sshrl.u32 s23, $0x3;
	s15 =	sadd.s32 s26, s2;
	s8 =	sadd.s32 $0x50000, s9  }
0xe: {  	s4 =	sadd.s32 s0, s5;
	s0 =	sadd.s32 s7, s0;
	s1 =	smax.u32 s1, $0x1  }
0xf: {  	[dreg:$0x8] =	wrdreg s24;
	s11 =	sshrl.u32 s8, $0x3;
	s17 =	sadd.s32 s8, s2  }
0x10: {  	s24 =	sadd.s32 $0x78000, s9;
	s7 =	simm.s32 $0x0;
	s5 =	sadd.s32 $0x1DA00, s4  }
0x11: {  	s0 =	sadd.s32 $0x27A00, s0;
	[dreg:$0x4] =	wrdreg s1;
	s1 =	sadd.s32 s6, s25  }
0x12: {  	s16 =	sadd.s32 s6, s11;
	s25 =	sshrl.u32 s24, $0x3;
	[dreg:$0x3] =	wrdreg s0  }
0x13: {  	s0 =	sadd.s32 s6, s19;
	[dreg:$0x9] =	wrdreg s1;
	s1 =	sshrl.u32 s26, $0x3  }
0x14: {  	s19 =	sadd.s32 s12, s2;
	s26 =	sshrl.u32 s10, $0x3;
	s20 =	sadd.s32 s6, s25  }
0x15: {  	s25 =	simm.s32 $0x5;
	[dreg:$0x5] =	wrdreg s0;
	s0 =	sadd.s32 s6, s21  }
.Ltmp0:
0x16: {  	s14 =	sadd.s32 s6, s1;
	s21 =	sadd.s32 s24, s2;
	(pc) =	sbr.rel .LBB2_1-.Ltmp0, $4  }
0x17: {  	s22 =	sadd.s32 s6, s26;
	s24 =	simm.s32 $0x200;
	s26 =	simm.s32 $0x4  }
0x18: {  	[dreg:$0x7] =	wrdreg s0;
	s0 =	sadd.s32 s23, s2;
	s23 =	sshrl.u32 s12, $0x3  }
0x19: {  	s1 =	simm.s32 $0x2200;
	[dreg:$0xa] =	wrdreg s0;
	s18 =	sadd.s32 s6, s23  }
0x1a: {  	v0 =	vimm.f32 $0.0e+00;
	s23 =	sadd.s32 s10, s2;
	s0 =	simm.s32 $0x6200;
	s6 =	simm.s32 $0x1  }
.LBB2_8:
0x1b: {  	[tilespmem:$0x8200] =	vst v1;
	s8 =	rddreg [dreg:$0x3];
	s9 =	simm.s32 $0x8200  }
0x1c: {  	[hbm4b:s8+s3] =	stream.linear.scatter [tilespmem:s9], [sflag:$0x4], $0x10, $0x38;
	[tilespmem:$0x11E50] =	vst v63  }
0x1d: {  	_ =	swait.ge [sflag:s26], $0x10  }
0x1e: {  	s7 =	sadd.s32 $0x1, s7;
	s13 =	rddreg [dreg:$0x4]  }
0x1f: {  	p1 =	sne.s32 s7, s13  }
.Ltmp1:
0x20: {  	_ = 	snop;
	(pc) =	sbr.rel @!p1 .LBB2_9-.Ltmp1, $3  }
0x21: {  	_ =	sdelay $0x1  }
0x22: {  	[sflag:s26] =	ssyncset.done $0x0  }
0x23: {  	[sflag:s26] =	ssyncadd.s32 $0xFFFFFFF0  }
.LBB2_1:
0x24: {  	s8 =	rddreg [dreg:$0x5]  }
0x25: {  	[tilespmem:s24], [sflag:$0x5] =	stream.linear.gather [hbm4b:s8+s3], $0x1400, $0x38;
	[tilespmem:$0x11E50] =	vst v63  }
0x26: {  	_ =	swait.ge [sflag:s25], $0x1400  }
0x27: {  	[sflag:s25] =	ssyncset.done $0x0  }
0x28: {  	s11 =	rddreg [dreg:$0x6];
	[sflag:s25] =	ssyncadd.s32 $0xFFFFEC00  }
0x29: {  	[spmem:s11] =	stream.linear.scatter [tilespmem:s24], [sflag:$0x4], $0x1400, $0x38;
	[tilespmem:$0x11E50] =	vst v63  }
0x2a: {  	_ =	swait.ge [sflag:s26], $0x1400  }
0x2b: {  	[sflag:s26] =	ssyncset.done $0x0  }
0x2c: {  	s12 =	rddreg [dreg:$0x7];
	[sflag:s26] =	ssyncadd.s32 $0xFFFFEC00  }
0x2d: {  	[tilespmem:s24], [sflag:$0x5] =	stream.linear.gather [hbm4b:s12+s3], $0x1400, $0x38;
	[tilespmem:$0x11E50] =	vst v63  }
0x2e: {  	_ =	swait.ge [sflag:s25], $0x1400  }
0x2f: {  	[sflag:s25] =	ssyncset.done $0x0  }
0x30: {  	s13 =	rddreg [dreg:$0x8];
	[sflag:s25] =	ssyncadd.s32 $0xFFFFEC00  }
0x31: {  	[spmem:s13] =	stream.linear.scatter [tilespmem:s24], [sflag:$0x4], $0x1400, $0x38;
	[tilespmem:$0x11E50] =	vst v63  }
0x32: {  	_ =	swait.ge [sflag:s26], $0x1400  }
0x33: {  	[sflag:s26] =	ssyncset.done $0x0  }
0x34: {  	s9 =	rddreg [dreg:$0x9];
	[sflag:s26] =	ssyncadd.s32 $0xFFFFEC00  }
0x35: {  	[tilespmem:s24], [sflag:$0x5] =	stream.linear.gather [hbm4b:s9+s3], $0x1400, $0x38;
	[tilespmem:$0x11E50] =	vst v63  }
0x36: {  	_ =	swait.ge [sflag:s25], $0x1400  }
0x37: {  	[sflag:s25] =	ssyncset.done $0x0  }
0x38: {  	s10 =	rddreg [dreg:$0xa];
	[sflag:s25] =	ssyncadd.s32 $0xFFFFEC00  }
0x39: {  	[spmem:s10] =	stream.linear.scatter [tilespmem:s24], [sflag:$0x4], $0x1400, $0x38;
	[tilespmem:$0x11E50] =	vst v63  }
0x3a: {  	_ =	swait.ge [sflag:s26], $0x1400  }
0x3b: {  	[sflag:s26] =	ssyncset.done $0x0  }
0x3c: {  	[sflag:s26] =	ssyncadd.s32 $0xFFFFEC00  }
0x3d: {  	[tilespmem:s24], [sflag:$0x5] =	stream.linear.gather [hbm4b:s14+s3], $0x1400, $0x38;
	[tilespmem:$0x11E50] =	vst v63  }
0x3e: {  	_ =	swait.ge [sflag:s25], $0x1400  }
0x3f: {  	[sflag:s25] =	ssyncset.done $0x0  }
0x40: {  	[sflag:s25] =	ssyncadd.s32 $0xFFFFEC00  }
0x41: {  	[spmem:s15] =	stream.linear.scatter [tilespmem:s24], [sflag:$0x4], $0x1400, $0x38;
	[tilespmem:$0x11E50] =	vst v63  }
0x42: {  	_ =	swait.ge [sflag:s26], $0x1400  }
0x43: {  	[sflag:s26] =	ssyncset.done $0x0  }
0x44: {  	[sflag:s26] =	ssyncadd.s32 $0xFFFFEC00  }
0x45: {  	[tilespmem:s24], [sflag:$0x5] =	stream.linear.gather [hbm4b:s16+s3], $0x1400, $0x38;
	[tilespmem:$0x11E50] =	vst v63  }
0x46: {  	_ =	swait.ge [sflag:s25], $0x1400  }
0x47: {  	[sflag:s25] =	ssyncset.done $0x0  }
0x48: {  	[sflag:s25] =	ssyncadd.s32 $0xFFFFEC00  }
0x49: {  	[spmem:s17] =	stream.linear.scatter [tilespmem:s24], [sflag:$0x4], $0x1400, $0x38;
	[tilespmem:$0x11E50] =	vst v63  }
0x4a: {  	_ =	swait.ge [sflag:s26], $0x1400  }
0x4b: {  	[sflag:s26] =	ssyncset.done $0x0  }
0x4c: {  	[sflag:s26] =	ssyncadd.s32 $0xFFFFEC00  }
0x4d: {  	[tilespmem:s24], [sflag:$0x5] =	stream.linear.gather [hbm4b:s18+s3], $0x1400, $0x38;
	[tilespmem:$0x11E50] =	vst v63  }
0x4e: {  	_ =	swait.ge [sflag:s25], $0x1400  }
0x4f: {  	[sflag:s25] =	ssyncset.done $0x0  }
0x50: {  	[sflag:s25] =	ssyncadd.s32 $0xFFFFEC00  }
0x51: {  	[spmem:s19] =	stream.linear.scatter [tilespmem:s24], [sflag:$0x4], $0x1400, $0x38;
	[tilespmem:$0x11E50] =	vst v63  }
0x52: {  	_ =	swait.ge [sflag:s26], $0x1400  }
0x53: {  	[sflag:s26] =	ssyncset.done $0x0  }
0x54: {  	[sflag:s26] =	ssyncadd.s32 $0xFFFFEC00  }
0x55: {  	[tilespmem:s24], [sflag:$0x5] =	stream.linear.gather [hbm4b:s20+s3], $0x1400, $0x38;
	[tilespmem:$0x11E50] =	vst v63  }
0x56: {  	_ =	swait.ge [sflag:s25], $0x1400  }
0x57: {  	[sflag:s25] =	ssyncset.done $0x0  }
0x58: {  	[sflag:s25] =	ssyncadd.s32 $0xFFFFEC00  }
0x59: {  	[spmem:s21] =	stream.linear.scatter [tilespmem:s24], [sflag:$0x4], $0x1400, $0x38;
	[tilespmem:$0x11E50] =	vst v63  }
0x5a: {  	_ =	swait.ge [sflag:s26], $0x1400  }
0x5b: {  	[sflag:s26] =	ssyncset.done $0x0  }
0x5c: {  	s8 =	simm.s32 @!p0 $0x0;
	s9 =	simm.s32 @!p0 $0x200;
	[sflag:s26] =	ssyncadd.s32 $0xFFFFEC00  }
0x5d: {  	[tilespmem:s9], [sflag:$0x5] =	stream.linear.gather @!p0 [hbm4b:s22+s8], $0x1400, $0x38;
	[tilespmem:$0x11E50] =	vst v63  }
0x5e: {  	s8 =	simm.s32 @!p0 $0x5  }
0x5f: {  	_ =	swait.ge @!p0 [sflag:s8], $0x1400  }
0x60: {  	[sflag:s8] =	ssyncset.done @!p0 $0x0  }
0x61: {  	[sflag:s8] =	ssyncadd.s32 @!p0 $0xFFFFEC00;
	s8 =	simm.s32 @!p0 $0x4  }
0x62: {  	[spmem:s23] =	stream.linear.scatter @!p0 [tilespmem:s9], [sflag:$0x4], $0x1400, $0x38;
	[tilespmem:$0x11E50] =	vst v63  }
0x63: {  	_ =	swait.ge @!p0 [sflag:s8], $0x1400  }
0x64: {  	[sflag:s8] =	ssyncset.done @!p0 $0x0  }
0x65: {  	[sflag:s8] =	ssyncadd.s32 @!p0 $0xFFFFEC00  }
0x66: {  	[bflag:$0x0] =	sbarrier.arrive $0xFFFF  }
0x67: {  	[tilespmem:s3], [sflag:$0x3] =	stream.linear.gather [hbm4b:s4+s3], $0x80, $0x38;
	[tilespmem:$0x11E50] =	vst v63  }
0x68: {  	_ = 	snop  }
0x69: {  	[tilespmem:s28], [sflag:$0x3] =	stream.linear.gather [hbm4b:s5+s3], $0x80, $0x38;
	[tilespmem:$0x11E50] =	vst v63  }
0x6a: {  	s11 =	sadd.s32 $0x10, s4  }
0x6b: {  	[tilespmem:s29], [sflag:$0x3] =	stream.linear.gather [hbm4b:s11+s3], $0x80, $0x38;
	[tilespmem:$0x11E50] =	vst v63  }
0x6c: {  	s12 =	sadd.s32 $0x10, s5  }
0x6d: {  	[tilespmem:s30], [sflag:$0x3] =	stream.linear.gather [hbm4b:s12+s3], $0x80, $0x38;
	[tilespmem:$0x11E50] =	vst v63  }
0x6e: {  	_ =	swait.ge [sflag:s31], $0x80  }
0x6f: {  	[sflag:s31] =	ssyncset.done $0x0  }
0x70: {  	[sflag:s31] =	ssyncadd.s32 $0xFFFFFF80  }
0x71: {  	_ =	swait.ge [sflag:s31], $0x80  }
0x72: {  	[sflag:s31] =	ssyncset.done $0x0  }
0x73: {  	[sflag:s31] =	ssyncadd.s32 $0xFFFFFF80  }
0x74: {  	[tilespmem:s24], [sflag:$0x1] =	stream.indirect.gather [spmem:s2], $0x40, s3, s29, $0xb8;
	[tilespmem:$0x11E50] =	vst v63  }
0x75: {  	s13 =	simm.s32 $0x4200  }
0x76: {  	[tilespmem:s13], [sflag:$0x1] =	stream.indirect.gather [spmem:s2], $0x40, s28, s29, $0xb8;
	[tilespmem:$0x11E50] =	vst v63  }
0x77: {  	_ =	swait.ge [sflag:s31], $0x80  }
0x78: {  	[sflag:s31] =	ssyncset.done $0x0  }
0x79: {  	[sflag:s31] =	ssyncadd.s32 $0xFFFFFF80  }
0x7a: {  	_ =	swait.ge [sflag:s31], $0x80  }
0x7b: {  	[sflag:s31] =	ssyncset.done $0x0  }
0x7c: {  	[sflag:s31] =	ssyncadd.s32 $0xFFFFFF80  }
0x7d: {  	[tilespmem:s1], [sflag:$0x2] =	stream.indirect.gather [spmem:s2], $0x40, s29, s29, $0xb8;
	[tilespmem:$0x11E50] =	vst v63  }
0x7e: {  	s8 =	simm.s32 $0x0  }
0x7f: {  	v1 =	vimm.f32 $0.0e+00;
	[tilespmem:s0], [sflag:$0x2] =	stream.indirect.gather [spmem:s2], $0x40, s30, s29, $0xb8;
	[tilespmem:$0x11E50] =	vst v63  }
.LBB2_2:
0x80: {  	_ =	swait.ge [sflag:s6], $0x2000  }
0x81: {  	[sflag:s6] =	ssyncset.done $0x0  }
0x82: {  	[sflag:s6] =	ssyncadd.s32 $0xFFFFE000  }
0x83: {  	s9 =	sshll.u32 s8, $0x5;
	p1 =	seq.s32 s8, $0x27;
	_ =	swait.ge [sflag:s6], $0x2000  }
0x84: {  	s10 =	sadd.s32 @!p1 $0x20, s9;
	[sflag:s6] =	ssyncset.done $0x0  }
0x85: {  	s12 =	simm.s32 @!p1 $0x0;
	s11 =	sadd.s32 @!p1 s4, s10;
	[sflag:s6] =	ssyncadd.s32 $0xFFFFE000  }
0x86: {  	[tilespmem:s12], [sflag:$0x3] =	stream.linear.gather @!p1 [hbm4b:s11+s12], $0x80, $0x38;
	[tilespmem:$0x11E50] =	vst v63  }
0x87: {  	s10 =	sadd.s32 @!p1 s5, s10;
	s11 =	simm.s32 @!p1 $0x100  }
0x88: {  	[tilespmem:s11], [sflag:$0x3] =	stream.linear.gather @!p1 [hbm4b:s10+s12], $0x80, $0x38;
	[tilespmem:$0x11E50] =	vst v63  }
0x89: {  	s12 =	simm.s32 $0x4280  }
0x8a: {  	v5 =	vld [tilespmem:s12+$0xFFFFFF80]  }
0x8b: {  	v2 =	vld [tilespmem:s12+$0x60]  }
0x8c: {  	s13 =	simm.s32 $0x280;
	v3 =	vld [tilespmem:s12+$0x40]  }
0x8d: {  	v4 =	vld [tilespmem:s13+$0x60]  }
0x8e: {  	v6 =	vld [tilespmem:s13+$0x40]  }
0x8f: {  	v7 =	vld [tilespmem:s12+$0x0]  }
0x90: {  	v8 =	vld [tilespmem:s12+$0x20]  }
0x91: {  	v9 =	vld [tilespmem:s13+$0x0]  }
0x92: {  	v10 =	vld [tilespmem:s13+$0x20]  }
0x93: {  	v11 =	vld [tilespmem:s12+$0xFFFFFFC0]  }
0x94: {  	v13 =	vld [tilespmem:s13+$0xFFFFFFC0]  }
0x95: {  	v14 =	vld [tilespmem:s12+$0xFFFFFFE0]  }
0x96: {  	v18 =	vld [tilespmem:s12+$0xFFFFFFD0]  }
0x97: {  	v15 =	vld [tilespmem:s13+$0xFFFFFFE0]  }
0x98: {  	v20 =	vld [tilespmem:s12+$0xFFFFFF90]  }
0x99: {  	v23 =	vld [tilespmem:s13+$0xFFFFFF80]  }
0x9a: {  	v27 =	vld [tilespmem:s13+$0xFFFFFF90]  }
0x9b: {  	v29 =	vld [tilespmem:s13+$0xFFFFFFD0]  }
0x9c: {  	v24 =	vsub.bf16 v4, v2  }
0x9d: {  	v19 =	vld [tilespmem:s13+$0x70];
	v2 =	vsub.bf16 v9, v7;
	v3 =	vsub.bf16 v6, v3  }
0x9e: {  	v21 =	vld [tilespmem:s13+$0xFFFFFFF0];
	v6 =	vsub.bf16 v10, v8;
	v13 =	vsub.bf16 v13, v11  }
0x9f: {  	v26 =	vld [tilespmem:s12+$0x30];
	v8 =	vsub.bf16 v15, v14;
	v23 =	vsub.bf16 v23, v5  }
0xa0: {  	v7 =	vld [tilespmem:s12+$0x70];
	v20 =	vsub.bf16 v27, v20;
	v33 =	vsub.bf16 v29, v18  }
0xa1: {  	v14 =	vld [tilespmem:s12+$0xFFFFFFF0];
	v25 =	vshll.u32 v24, $0x10;
	v12 =	vshll.u32 v2, $0x10;
	v4 =	vand.u32 $0xFFFF0000, v3  }
0xa2: {  	v10 =	vld [tilespmem:s13+$0x30];
	v11 =	vshll.u32 v3, $0x10;
	v9 =	vand.u32 $0xFFFF0000, v2;
	v15 =	vshll.u32 v6, $0x10  }
0xa3: {  	v2 =	vand.u32 $0xFFFF0000, v13;
	v6 =	vand.u32 $0xFFFF0000, v6;
	v17 =	vand.u32 $0xFFFF0000, v8  }
0xa4: {  	v28 =	vld [tilespmem:s13+$0x10];
	v8 =	vshll.u32 v8, $0x10;
	v3 =	vand.u32 $0xFFFF0000, v24;
	v36 =	vshll.u32 v23, $0x10  }
0xa5: {  	v24 =	vld [tilespmem:s13+$0x50];
	v22 =	vmul.f32 v2, v2;
	v2 =	vmul.f32 v25, v25;
	v7 =	vsub.bf16 v19, v7  }
0xa6: {  	v25 =	vshll.u32 v13, $0x10;
	v3 =	vmul.f32 v3, v3;
	v19 =	vld [tilespmem:s12+$0x10];
	v13 =	vsub.bf16 v21, v14  }
0xa7: {  	v21 =	vld [tilespmem:s12+$0x50];
	v26 =	vsub.bf16 v10, v26;
	v14 =	vand.u32 $0xFFFF0000, v7;
	v7 =	vshll.u32 v7, $0x10  }
0xa8: {  	v27 =	vand.u32 $0xFFFF0000, v13;
	v31 =	vshll.u32 v13, $0x10;
	v13 =	vshll.u32 v20, $0x10  }
0xa9: {  	v35 =	vld [tilespmem:s12+$0xFFFFFFA0];
	v20 =	vand.u32 $0xFFFF0000, v20;
	v5 =	vmul.f32 v14, v14;
	v10 =	vmul.f32 v27, v27  }
0xaa: {  	v18 =	vshll.u32 v26, $0x10;
	v14 =	vld [tilespmem:s13+$0xFFFFFFA0];
	v30 =	vmul.f32 v13, v13;
	v13 =	vmul.f32 v20, v20  }
0xab: {  	v16 =	vld [tilespmem:s12+$0xFFFFFFB0];
	v27 =	vand.u32 $0xFFFF0000, v26;
	v20 =	vimm.f32 $0.0e+00;
	v32 =	vsub.bf16 v28, v19  }
0xac: {  	v19 =	vand.u32 $0xFFFF0000, v23;
	v28 =	vld [tilespmem:s13+$0xFFFFFFB0];
	v24 =	vsub.bf16 v24, v21;
	v38 =	vadd.f32 v13, v0  }
0xad: {  	v23 =	vimm.f32 $0.0e+00;
	v13 =	vimm.f32 $0.0e+00;
	v21 =	vmul.f32 v19, v19  }
0xae: {  	v19 =	vmul.f32 v18, v18;
	v18 =	vand.u32 $0xFFFF0000, v33;
	v40 =	vand.u32 $0xFFFF0000, v32  }
0xaf: {  	v37 =	vand.u32 $0xFFFF0000, v24;
	v39 =	vmul.f32 v18, v18;
	v14 =	vsub.bf16 v14, v35  }
0xb0: {  	v18 =	vimm.f32 $0.0e+00;
	v34 =	vadd.f32 v21, v0;
	v35 =	vmul.f32 v40, v40  }
0xb1: {  	v21 =	vimm.f32 $0.0e+00;
	v26 =	vsub.bf16 v28, v16;
	v29 =	vand.u32 $0xFFFF0000, v14  }
0xb2: {  	s10 =	simm.s32 $0x0;
	s11 =	simm.s32 $0x380;
	s12 =	simm.s32 $0x4380;
	v16 =	vmul.f32 v27, v27;
	v28 =	vshll.u32 v14, $0x10;
	v14 =	vimm.f32 $0.0e+00  }
.LBB2_3:
0xb3: {  	v27 =	vld [tilespmem:s12+$0xFFFFFF80];
	s10 =	sadd.s32 $0x4, s10;
	v36 =	vmul.f32 v36, v36;
	v31 =	vmul.f32 v31, v31;
	v32 =	vshll.u32 v32, $0x10  }
0xb4: {  	v38 =	vadd.f32 v39, v38;
	v37 =	vmul.f32 v37, v37;
	v40 =	vld [tilespmem:s12+$0x60];
	p2 =	slt.u32 s10, $0x7C;
	v32 =	vmul.f32 v32, v32  }
0xb5: {  	v25 =	vmul.f32 v25, v25;
	v33 =	vshll.u32 v33, $0x10;
	v39 =	vld [tilespmem:s12+$0x40];
	v20 =	vadd.f32 v36, v20  }
0xb6: {  	v22 =	vadd.f32 v22, v34;
	v12 =	vmul.f32 v12, v12;
	v34 =	vadd.f32 v35, v38;
	v36 =	vld [tilespmem:s11+$0x60]  }
0xb7: {  	v35 =	vld [tilespmem:s11+$0x40];
	v20 =	vadd.f32 v25, v20;
	v25 =	vmul.f32 v33, v33;
	v33 =	vmul.f32 v15, v15  }
0xb8: {  	v23 =	vadd.f32 v30, v23;
	v30 =	vshll.u32 v26, $0x10;
	v11 =	vmul.f32 v11, v11;
	v15 =	vld [tilespmem:s12+$0x0]  }
0xb9: {  	v17 =	vmul.f32 v17, v17;
	v41 =	vmul.f32 v4, v4;
	v38 =	vld [tilespmem:s12+$0x20];
	v12 =	vadd.f32 v12, v20  }
0xba: {  	v9 =	vmul.f32 v9, v9;
	v30 =	vmul.f32 v30, v30;
	v23 =	vadd.f32 v25, v23;
	v4 =	vld [tilespmem:s11+$0x0]  }
0xbb: {  	v29 =	vmul.f32 v29, v29;
	v25 =	vld [tilespmem:s11+$0x20];
	v20 =	vadd.f32 v11, v12;
	v11 =	vshll.u32 v24, $0x10  }
0xbc: {  	v21 =	vadd.f32 v30, v21;
	v36 =	vsub.bf16 v36, v40;
	v24 =	vld [tilespmem:s12+$0xFFFFFFC0];
	v30 =	vmul.f32 v11, v11  }
0xbd: {  	v28 =	vmul.f32 v28, v28;
	v22 =	vadd.f32 v9, v22;
	v23 =	vadd.f32 v32, v23;
	v40 =	vld [tilespmem:s11+$0xFFFFFFC0]  }
0xbe: {  	v9 =	vand.u32 $0xFFFF0000, v26;
	v26 =	vadd.f32 v37, v34;
	v42 =	vshll.u32 v36, $0x10;
	v32 =	vld [tilespmem:s12+$0xFFFFFFE0]  }
0xbf: {  	v18 =	vadd.f32 v29, v18;
	v29 =	vmul.f32 v6, v6;
	v37 =	vld [tilespmem:s12+$0xFFFFFFB0];
	v15 =	vsub.bf16 v4, v15  }
0xc0: {  	v8 =	vmul.f32 v8, v8;
	v6 =	vsub.bf16 v35, v39;
	v35 =	vmul.f32 v9, v9;
	v34 =	vld [tilespmem:s12+$0xFFFFFFD0]  }
0xc1: {  	v21 =	vadd.f32 v31, v21;
	v25 =	vsub.bf16 v25, v38;
	v39 =	vld [tilespmem:s11+$0xFFFFFFE0];
	v12 =	vshll.u32 v15, $0x10  }
0xc2: {  	v11 =	vshll.u32 v6, $0x10;
	v4 =	vand.u32 $0xFFFF0000, v6;
	v6 =	vadd.f32 v28, v14;
	v31 =	vld [tilespmem:s11+$0x70]  }
0xc3: {  	v19 =	vadd.f32 v19, v21;
	v9 =	vand.u32 $0xFFFF0000, v15;
	v24 =	vsub.bf16 v40, v24;
	v28 =	vld [tilespmem:s12+$0xFFFFFF90]  }
0xc4: {  	v23 =	vadd.f32 v30, v23;
	v8 =	vadd.f32 v8, v6;
	v15 =	vshll.u32 v25, $0x10;
	v38 =	vld [tilespmem:s11+$0xFFFFFFF0]  }
0xc5: {  	v14 =	vadd.f32 v17, v18;
	v6 =	vand.u32 $0xFFFF0000, v25;
	v21 =	vand.u32 $0xFFFF0000, v24;
	v30 =	vld [tilespmem:s11+$0xFFFFFF80]  }
0xc6: {  	v7 =	vmul.f32 v7, v7;
	v13 =	vadd.f32 v35, v13;
	v8 =	vadd.f32 v33, v8;
	v40 =	vld [tilespmem:s12+$0x30]  }
0xc7: {  	v29 =	vadd.f32 v29, v14;
	v18 =	vsub.bf16 v39, v32;
	v25 =	vld [tilespmem:s12+$0x70]  }
0xc8: {  	v10 =	vadd.f32 v10, v13;
	v14 =	vadd.f32 v2, v8;
	v32 =	vld [tilespmem:s11+$0x30]  }
0xc9: {  	v17 =	vand.u32 $0xFFFF0000, v18;
	v8 =	vshll.u32 v18, $0x10;
	v18 =	vadd.f32 v3, v29;
	v33 =	vld [tilespmem:s12+$0xFFFFFFF0]  }
0xca: {  	v3 =	vadd.f32 v16, v10;
	v16 =	vadd.f32 v41, v22;
	v29 =	vld [tilespmem:s11+$0x10]  }
0xcb: {  	v2 =	vmul.f32 v42, v42;
	v22 =	vmul.f32 v21, v21;
	v21 =	vadd.f32 v7, v19;
	v35 =	vld [tilespmem:s11+$0xFFFFFFD0]  }
0xcc: {  	v13 =	vadd.f32 v5, v3;
	v10 =	vld [tilespmem:s11+$0xFFFFFF90];
	v7 =	vsub.bf16 v31, v25  }
0xcd: {  	v3 =	vand.u32 $0xFFFF0000, v36;
	v25 =	vshll.u32 v24, $0x10;
	v5 =	vld [tilespmem:s12+$0x10]  }
0xce: {  	v3 =	vmul.f32 v3, v3;
	v19 =	vsub.bf16 v38, v33;
	v24 =	vand.u32 $0xFFFF0000, v7  }
0xcf: {  	v7 =	vshll.u32 v7, $0x10;
	v36 =	vld [tilespmem:s12+$0x50]  }
0xd0: {  	v27 =	vsub.bf16 v30, v27;
	v30 =	vand.u32 $0xFFFF0000, v19;
	v38 =	vld [tilespmem:s11+$0x50]  }
0xd1: {  	v39 =	vsub.bf16 v32, v40;
	v28 =	vsub.bf16 v10, v28  }
0xd2: {  	v31 =	vshll.u32 v19, $0x10;
	v40 =	vld [tilespmem:s12+$0xFFFFFFA0];
	v32 =	vsub.bf16 v29, v5;
	v5 =	vmul.f32 v24, v24  }
0xd3: {  	v41 =	vand.u32 $0xFFFF0000, v39;
	v10 =	vmul.f32 v30, v30;
	v19 =	vshll.u32 v28, $0x10;
	v29 =	vld [tilespmem:s11+$0xFFFFFFA0]  }
0xd4: {  	v30 =	vand.u32 $0xFFFF0000, v27;
	v28 =	vand.u32 $0xFFFF0000, v28;
	v42 =	vld [tilespmem:s11+$0xFFFFFFB0];
	v43 =	vand.u32 $0xFFFF0000, v32  }
0xd5: {  	v33 =	vsub.bf16 v35, v34;
	v34 =	vshll.u32 v39, $0x10;
	v24 =	vsub.bf16 v38, v36  }
0xd6: {  	v36 =	vshll.u32 v27, $0x10;
	v27 =	vmul.f32 v30, v30;
	v30 =	vmul.f32 v19, v19  }
.Ltmp2:
0xd7: {  	v28 =	vmul.f32 v28, v28;
	v19 =	vmul.f32 v34, v34;
	(pc) =	sbr.rel @p2 .LBB2_3-.Ltmp2, $4  }
0xd8: {  	v34 =	vadd.f32 v27, v16;
	v16 =	vand.u32 $0xFFFF0000, v33;
	v27 =	vsub.bf16 v29, v40  }
0xd9: {  	v38 =	vadd.f32 v28, v26;
	v26 =	vsub.bf16 v42, v37;
	v37 =	vand.u32 $0xFFFF0000, v24  }
0xda: {  	v39 =	vmul.f32 v16, v16;
	v16 =	vmul.f32 v41, v41;
	v29 =	vand.u32 $0xFFFF0000, v27  }
0xdb: {  	s12 =	sadd.s32 $0x100, s12;
	s11 =	sadd.s32 $0x100, s11;
	v35 =	vmul.f32 v43, v43;
	v28 =	vshll.u32 v27, $0x10  }
0xdc: {  	s10 =	simm.s32 @p1 $0x2  }
0xdd: {  	_ =	swait.ge @p1 [sflag:s10], $0x2000  }
0xde: {  	[sflag:s10] =	ssyncset.done @p1 $0x0  }
0xdf: {  	[sflag:s10] =	ssyncadd.s32 @p1 $0xFFFFE000  }
0xe0: {  	_ =	swait.ge @p1 [sflag:s10], $0x2000  }
0xe1: {  	[sflag:s10] =	ssyncset.done @p1 $0x0  }
0xe2: {  	[sflag:s10] =	ssyncadd.s32 @p1 $0xFFFFE000;
	s10 =	simm.s32 @!p1 $0x3  }
0xe3: {  	_ =	swait.ge @!p1 [sflag:s10], $0x80  }
0xe4: {  	[sflag:s10] =	ssyncset.done @!p1 $0x0  }
0xe5: {  	[sflag:s10] =	ssyncadd.s32 @!p1 $0xFFFFFF80  }
0xe6: {  	_ =	swait.ge @!p1 [sflag:s10], $0x80  }
0xe7: {  	s11 =	simm.s32 @!p1 $0x0;
	[sflag:s10] =	ssyncset.done @!p1 $0x0  }
0xe8: {  	s12 =	simm.s32 @!p1 $0x200;
	[sflag:s10] =	ssyncadd.s32 @!p1 $0xFFFFFF80;
	s10 =	simm.s32 @!p1 $0x80  }
0xe9: {  	[tilespmem:s12], [sflag:$0x1] =	stream.indirect.gather @!p1 [spmem:s2], $0x40, s11, s10, $0xb8;
	[tilespmem:$0x11E50] =	vst v63  }
0xea: {  	s13 =	simm.s32 @!p1 $0x4200;
	s12 =	simm.s32 @!p1 $0x100  }
0xeb: {  	[tilespmem:s13], [sflag:$0x1] =	stream.indirect.gather @!p1 [spmem:s2], $0x40, s12, s10, $0xb8;
	[tilespmem:$0x11E50] =	vst v63  }
0xec: {  	s12 =	simm.s32 @!p1 $0x2  }
0xed: {  	v27 =	vmul.f32 v36, v36;
	_ =	swait.ge @!p1 [sflag:s12], $0x2000  }
0xee: {  	v31 =	vmul.f32 v31, v31;
	v32 =	vshll.u32 v32, $0x10;
	v60 =	vadd.f32 v39, v38;
	[sflag:s12] =	ssyncset.done @!p1 $0x0  }
0xef: {  	v25 =	vmul.f32 v25, v25;
	v33 =	vshll.u32 v33, $0x10;
	v22 =	vadd.f32 v22, v34;
	[sflag:s12] =	ssyncadd.s32 @!p1 $0xFFFFE000  }
0xf0: {  	v12 =	vmul.f32 v12, v12;
	v15 =	vmul.f32 v15, v15;
	v20 =	vadd.f32 v27, v20;
	_ =	swait.ge @!p1 [sflag:s12], $0x2000  }
0xf1: {  	s9 =	sadd.s32 @!p1 $0x30, s9;
	v23 =	vadd.f32 v30, v23;
	v30 =	vshll.u32 v26, $0x10;
	v11 =	vmul.f32 v11, v11;
	[sflag:s12] =	ssyncset.done @!p1 $0x0  }
0xf2: {  	v17 =	vmul.f32 v17, v17;
	v9 =	vmul.f32 v9, v9;
	v20 =	vadd.f32 v25, v20;
	[sflag:s12] =	ssyncadd.s32 @!p1 $0xFFFFE000;
	s12 =	sadd.s32 @!p1 s4, s9  }
0xf3: {  	v28 =	vmul.f32 v28, v28;
	v26 =	vand.u32 $0xFFFF0000, v26;
	v8 =	vmul.f32 v8, v8;
	[tilespmem:s10], [sflag:$0x3] =	stream.linear.gather @!p1 [hbm4b:s12+s11], $0x80, $0x38;
	[tilespmem:$0x11E50] =	vst v63  }
0xf4: {  	v30 =	vmul.f32 v30, v30;
	v26 =	vmul.f32 v26, v26;
	v12 =	vadd.f32 v12, v20;
	s9 =	sadd.s32 @!p1 s5, s9;
	s10 =	simm.s32 @!p1 $0x180;
	s12 =	simm.s32 $0x62F0  }
0xf5: {  	v27 =	vmul.f32 v37, v37;
	v9 =	vadd.f32 v9, v22;
	v14 =	vadd.f32 v28, v14;
	[tilespmem:s10], [sflag:$0x3] =	stream.linear.gather @!p1 [hbm4b:s9+s11], $0x80, $0x38;
	[tilespmem:$0x11E50] =	vst v63  }
0xf6: {  	v25 =	vmul.f32 v33, v33;
	v20 =	vadd.f32 v35, v60;
	v11 =	vadd.f32 v11, v12;
	v12 =	vld [tilespmem:s12+$0xFFFFFF10]  }
0xf7: {  	v4 =	vmul.f32 v4, v4;
	v21 =	vadd.f32 v30, v21;
	v13 =	vadd.f32 v26, v13;
	v22 =	vld [tilespmem:s12+$0xFFFFFFF0]  }
0xf8: {  	v23 =	vadd.f32 v25, v23;
	v25 =	vmul.f32 v29, v29;
	v20 =	vadd.f32 v27, v20;
	s13 =	simm.s32 $0x22F0;
	v27 =	vld [tilespmem:s12+$0xFFFFFFD0]  }
0xf9: {  	v24 =	vshll.u32 v24, $0x10;
	v8 =	vadd.f32 v8, v14;
	v4 =	vadd.f32 v4, v9;
	v28 =	vld [tilespmem:s13+$0xFFFFFFF0]  }
0xfa: {  	v6 =	vmul.f32 v6, v6;
	v21 =	vadd.f32 v31, v21;
	v18 =	vadd.f32 v25, v18;
	v25 =	vld [tilespmem:s13+$0xFFFFFFD0]  }
0xfb: {  	v32 =	vmul.f32 v32, v32;
	v10 =	vadd.f32 v10, v13;
	v8 =	vadd.f32 v15, v8;
	v14 =	vld [tilespmem:s12+$0xFFFFFF90]  }
0xfc: {  	v7 =	vmul.f32 v7, v7;
	v19 =	vadd.f32 v19, v21;
	v17 =	vadd.f32 v17, v18;
	v18 =	vld [tilespmem:s12+$0xFFFFFFB0]  }
0xfd: {  	v24 =	vmul.f32 v24, v24;
	v23 =	vadd.f32 v32, v23;
	v2 =	vadd.f32 v2, v8;
	v13 =	vld [tilespmem:s13+$0xFFFFFF90]  }
0xfe: {  	v8 =	vadd.f32 v16, v10;
	v6 =	vadd.f32 v6, v17;
	v17 =	vld [tilespmem:s13+$0xFFFFFFB0]  }
0xff: {  	v7 =	vadd.f32 v7, v19;
	v15 =	vadd.f32 v24, v23;
	v10 =	vld [tilespmem:s12+$0xFFFFFF50]  }
0x100: {  	v5 =	vadd.f32 v5, v8;
	v3 =	vadd.f32 v3, v6;
	v6 =	vld [tilespmem:s13+$0xFFFFFF50]  }
0x101: {  	v4 =	vadd.f32 v11, v4;
	v8 =	vadd.f32 v15, v20;
	v9 =	vld [tilespmem:s12+$0xFFFFFF70]  }
0x102: {  	v2 =	vadd.f32 v2, v3;
	v3 =	vadd.f32 v7, v5;
	v15 =	vld [tilespmem:s12+$0xFFFFFF60]  }
0x103: {  	v5 =	vld [tilespmem:s13+$0xFFFFFF70]  }
0x104: {  	v4 =	vadd.f32 v8, v4;
	v2 =	vadd.f32 v3, v2;
	v7 =	vld [tilespmem:s13+$0x0]  }
0x105: {  	v19 =	vld [tilespmem:s13+$0xFFFFFF10]  }
0x106: {  	v2 =	vadd.f32 v2, v4;
	v23 =	vld [tilespmem:s12+$0x0]  }
0x107: {  	v61 =	vld [tilespmem:s13+$0xFFFFFF60]  }
0x108: {  	v1 =	vadd.f32 v2, v1;
	v16 =	vld [tilespmem:s12+$0xFFFFFF20]  }
0x109: {  	v3 =	vld [tilespmem:s13+$0xFFFFFF80];
	v20 =	vsub.bf16 v28, v22;
	v14 =	vsub.bf16 v13, v14  }
0x10a: {  	v26 =	vld [tilespmem:s13+$0xFFFFFFC0];
	v2 =	vsub.bf16 v25, v27;
	v17 =	vsub.bf16 v17, v18  }
0x10b: {  	v29 =	vld [tilespmem:s12+$0xFFFFFFA0];
	v6 =	vsub.bf16 v6, v10;
	v7 =	vsub.bf16 v7, v23  }
0x10c: {  	v8 =	vimm.f32 $0.0e+00;
	v22 =	vld [tilespmem:s12+$0xFFFFFFC0];
	v19 =	vsub.bf16 v19, v12;
	v33 =	vsub.bf16 v61, v15  }
0x10d: {  	v18 =	vld [tilespmem:s12+$0xFFFFFF80];
	v24 =	vshll.u32 v20, $0x10;
	v13 =	vshll.u32 v14, $0x10;
	v4 =	vand.u32 $0xFFFF0000, v2  }
0x10e: {  	v28 =	vld [tilespmem:s13+$0xFFFFFF20];
	v11 =	vshll.u32 v2, $0x10;
	v10 =	vand.u32 $0xFFFF0000, v14;
	v2 =	vsub.bf16 v5, v9  }
0x10f: {  	v27 =	vld [tilespmem:s13+$0xFFFFFFA0];
	v14 =	vshll.u32 v17, $0x10;
	v21 =	vand.u32 $0xFFFF0000, v6;
	v5 =	vand.u32 $0xFFFF0000, v17  }
0x110: {  	v20 =	vand.u32 $0xFFFF0000, v20;
	v25 =	vshll.u32 v6, $0x10;
	v36 =	vshll.u32 v19, $0x10  }
0x111: {  	v63 =	vld [tilespmem:s13+$0xFFFFFF40];
	v21 =	vmul.f32 v21, v21;
	v17 =	vand.u32 $0xFFFF0000, v2;
	v9 =	vshll.u32 v2, $0x10  }
0x112: {  	v23 =	vld [tilespmem:s13+$0xFFFFFFE0];
	v2 =	vmul.f32 v24, v24;
	v6 =	vsub.bf16 v3, v18;
	v3 =	vmul.f32 v20, v20  }
0x113: {  	v24 =	vld [tilespmem:s12+$0xFFFFFF30];
	v20 =	vand.u32 $0xFFFF0000, v7;
	v7 =	vshll.u32 v7, $0x10;
	v16 =	vsub.bf16 v28, v16  }
0x114: {  	v18 =	vld [tilespmem:s12+$0xFFFFFFE0];
	v22 =	vsub.bf16 v26, v22;
	v31 =	vsub.bf16 v27, v29;
	v29 =	vand.u32 $0xFFFF0000, v19  }
0x115: {  	v27 =	vld [tilespmem:s13+$0xFFFFFF30];
	v19 =	vimm.f32 $0.0e+00;
	v12 =	vand.u32 $0xFFFF0000, v6;
	v30 =	vshll.u32 v6, $0x10  }
0x116: {  	v28 =	vld [tilespmem:s12+$0xFFFFFF40];
	v6 =	vmul.f32 v20, v20;
	v20 =	vshll.u32 v16, $0x10;
	v62 =	vand.u32 $0xFFFF0000, v22  }
0x117: {  	v16 =	vand.u32 $0xFFFF0000, v16;
	v40 =	vand.u32 $0xFFFF0000, v31;
	v12 =	vmul.f32 v12, v12  }
0x118: {  	v15 =	vshll.u32 v22, $0x10;
	v16 =	vmul.f32 v16, v16;
	v32 =	vmul.f32 v20, v20  }
0x119: {  	v22 =	vimm.f32 $0.0e+00;
	v20 =	vmul.f32 v15, v15;
	v35 =	vmul.f32 v40, v40  }
0x11a: {  	v26 =	vsub.bf16 v23, v18;
	v18 =	vmul.f32 v29, v29;
	v15 =	vsub.bf16 v27, v24  }
0x11b: {  	v38 =	vadd.f32 v16, v8;
	v27 =	vsub.bf16 v63, v28;
	v23 =	vimm.f32 $0.0e+00  }
0x11c: {  	v16 =	vimm.f32 $0.0e+00;
	v34 =	vadd.f32 v18, v8;
	v18 =	vand.u32 $0xFFFF0000, v33  }
0x11d: {  	v37 =	vand.u32 $0xFFFF0000, v26;
	v29 =	vand.u32 $0xFFFF0000, v15;
	v28 =	vshll.u32 v15, $0x10  }
0x11e: {  	s9 =	simm.s32 $0x0;
	s10 =	simm.s32 $0x63F0;
	s11 =	simm.s32 $0x23F0;
	v15 =	vimm.f32 $0.0e+00;
	v39 =	vmul.f32 v18, v18;
	v18 =	vmul.f32 v62, v62  }
.LBB2_5:
0x11f: {  	v24 =	vld [tilespmem:s10+$0xFFFFFF10];
	s9 =	sadd.s32 $0x4, s9;
	v36 =	vmul.f32 v36, v36;
	v30 =	vmul.f32 v30, v30;
	v31 =	vshll.u32 v31, $0x10  }
0x120: {  	v38 =	vadd.f32 v39, v38;
	v37 =	vmul.f32 v37, v37;
	v40 =	vld [tilespmem:s10+$0xFFFFFFF0];
	p2 =	slt.u32 s9, $0x7C;
	v31 =	vmul.f32 v31, v31  }
0x121: {  	v25 =	vmul.f32 v25, v25;
	v33 =	vshll.u32 v33, $0x10;
	v39 =	vld [tilespmem:s10+$0xFFFFFFD0];
	v8 =	vadd.f32 v36, v8  }
0x122: {  	v21 =	vadd.f32 v21, v34;
	v13 =	vmul.f32 v13, v13;
	v34 =	vadd.f32 v35, v38;
	v36 =	vld [tilespmem:s11+$0xFFFFFFF0]  }
0x123: {  	v35 =	vld [tilespmem:s11+$0xFFFFFFD0];
	v8 =	vadd.f32 v25, v8;
	v25 =	vmul.f32 v33, v33;
	v33 =	vmul.f32 v14, v14  }
0x124: {  	v22 =	vadd.f32 v32, v22;
	v32 =	vshll.u32 v27, $0x10;
	v11 =	vmul.f32 v11, v11;
	v14 =	vld [tilespmem:s10+$0xFFFFFF90]  }
0x125: {  	v17 =	vmul.f32 v17, v17;
	v41 =	vmul.f32 v4, v4;
	v38 =	vld [tilespmem:s10+$0xFFFFFFB0];
	v8 =	vadd.f32 v13, v8  }
0x126: {  	v10 =	vmul.f32 v10, v10;
	v13 =	vmul.f32 v32, v32;
	v22 =	vadd.f32 v25, v22;
	v4 =	vld [tilespmem:s11+$0xFFFFFF90]  }
0x127: {  	v29 =	vmul.f32 v29, v29;
	v25 =	vld [tilespmem:s11+$0xFFFFFFB0];
	v8 =	vadd.f32 v11, v8;
	v11 =	vshll.u32 v26, $0x10  }
0x128: {  	v32 =	vsub.bf16 v36, v40;
	v23 =	vadd.f32 v13, v23;
	v26 =	vld [tilespmem:s10+$0xFFFFFF50];
	v36 =	vmul.f32 v11, v11  }
0x129: {  	v28 =	vmul.f32 v28, v28;
	v21 =	vadd.f32 v10, v21;
	v22 =	vadd.f32 v31, v22;
	v40 =	vld [tilespmem:s11+$0xFFFFFF50]  }
0x12a: {  	v10 =	vand.u32 $0xFFFF0000, v27;
	v27 =	vadd.f32 v37, v34;
	v42 =	vshll.u32 v32, $0x10;
	v31 =	vld [tilespmem:s10+$0xFFFFFF70]  }
0x12b: {  	v19 =	vadd.f32 v29, v19;
	v29 =	vmul.f32 v5, v5;
	v37 =	vld [tilespmem:s10+$0xFFFFFF40];
	v14 =	vsub.bf16 v4, v14  }
0x12c: {  	v9 =	vmul.f32 v9, v9;
	v5 =	vsub.bf16 v35, v39;
	v35 =	vmul.f32 v10, v10;
	v34 =	vld [tilespmem:s10+$0xFFFFFF60]  }
0x12d: {  	v23 =	vadd.f32 v30, v23;
	v25 =	vsub.bf16 v25, v38;
	v39 =	vld [tilespmem:s11+$0xFFFFFF70];
	v13 =	vshll.u32 v14, $0x10  }
0x12e: {  	v11 =	vshll.u32 v5, $0x10;
	v4 =	vand.u32 $0xFFFF0000, v5;
	v5 =	vadd.f32 v28, v16;
	v30 =	vld [tilespmem:s11+$0x0]  }
0x12f: {  	v20 =	vadd.f32 v20, v23;
	v10 =	vand.u32 $0xFFFF0000, v14;
	v26 =	vsub.bf16 v40, v26;
	v28 =	vld [tilespmem:s10+$0xFFFFFF20]  }
0x130: {  	v22 =	vadd.f32 v36, v22;
	v9 =	vadd.f32 v9, v5;
	v14 =	vshll.u32 v25, $0x10;
	v38 =	vld [tilespmem:s11+$0xFFFFFF80]  }
0x131: {  	v16 =	vadd.f32 v17, v19;
	v5 =	vand.u32 $0xFFFF0000, v25;
	v23 =	vand.u32 $0xFFFF0000, v26;
	v36 =	vld [tilespmem:s11+$0xFFFFFF10]  }
0x132: {  	v7 =	vmul.f32 v7, v7;
	v15 =	vadd.f32 v35, v15;
	v9 =	vadd.f32 v33, v9;
	v40 =	vld [tilespmem:s10+$0xFFFFFFC0]  }
0x133: {  	v29 =	vadd.f32 v29, v16;
	v19 =	vsub.bf16 v39, v31;
	v25 =	vld [tilespmem:s10+$0x0]  }
0x134: {  	v12 =	vadd.f32 v12, v15;
	v16 =	vadd.f32 v2, v9;
	v31 =	vld [tilespmem:s11+$0xFFFFFFC0]  }
0x135: {  	v17 =	vand.u32 $0xFFFF0000, v19;
	v9 =	vshll.u32 v19, $0x10;
	v19 =	vadd.f32 v3, v29;
	v33 =	vld [tilespmem:s10+$0xFFFFFF80]  }
0x136: {  	v3 =	vadd.f32 v18, v12;
	v18 =	vadd.f32 v41, v21;
	v29 =	vld [tilespmem:s11+$0xFFFFFFA0]  }
0x137: {  	v2 =	vmul.f32 v42, v42;
	v21 =	vmul.f32 v23, v23;
	v23 =	vadd.f32 v7, v20;
	v35 =	vld [tilespmem:s11+$0xFFFFFF60]  }
0x138: {  	v15 =	vadd.f32 v6, v3;
	v12 =	vld [tilespmem:s11+$0xFFFFFF20];
	v7 =	vsub.bf16 v30, v25  }
0x139: {  	v3 =	vand.u32 $0xFFFF0000, v32;
	v25 =	vshll.u32 v26, $0x10;
	v6 =	vld [tilespmem:s10+$0xFFFFFFA0]  }
0x13a: {  	v3 =	vmul.f32 v3, v3;
	v20 =	vsub.bf16 v38, v33;
	v26 =	vand.u32 $0xFFFF0000, v7  }
0x13b: {  	v7 =	vshll.u32 v7, $0x10;
	v32 =	vld [tilespmem:s10+$0xFFFFFFE0]  }
0x13c: {  	v24 =	vsub.bf16 v36, v24;
	v33 =	vand.u32 $0xFFFF0000, v20;
	v36 =	vld [tilespmem:s11+$0xFFFFFFE0]  }
0x13d: {  	v38 =	vsub.bf16 v31, v40;
	v28 =	vsub.bf16 v12, v28  }
0x13e: {  	v30 =	vshll.u32 v20, $0x10;
	v39 =	vld [tilespmem:s10+$0xFFFFFF30];
	v31 =	vsub.bf16 v29, v6;
	v6 =	vmul.f32 v26, v26  }
0x13f: {  	v40 =	vand.u32 $0xFFFF0000, v38;
	v12 =	vmul.f32 v33, v33;
	v20 =	vshll.u32 v28, $0x10;
	v29 =	vld [tilespmem:s11+$0xFFFFFF30]  }
0x140: {  	v41 =	vand.u32 $0xFFFF0000, v24;
	v28 =	vand.u32 $0xFFFF0000, v28;
	v42 =	vld [tilespmem:s11+$0xFFFFFF40];
	v43 =	vand.u32 $0xFFFF0000, v31  }
0x141: {  	v33 =	vsub.bf16 v35, v34;
	v34 =	vshll.u32 v38, $0x10;
	v26 =	vsub.bf16 v36, v32  }
0x142: {  	v36 =	vshll.u32 v24, $0x10;
	v24 =	vmul.f32 v41, v41;
	v32 =	vmul.f32 v20, v20  }
.Ltmp3:
0x143: {  	v28 =	vmul.f32 v28, v28;
	v20 =	vmul.f32 v34, v34;
	(pc) =	sbr.rel @p2 .LBB2_5-.Ltmp3, $4  }
0x144: {  	v34 =	vadd.f32 v24, v18;
	v18 =	vand.u32 $0xFFFF0000, v33;
	v24 =	vsub.bf16 v29, v39  }
0x145: {  	v38 =	vadd.f32 v28, v27;
	v27 =	vsub.bf16 v42, v37;
	v37 =	vand.u32 $0xFFFF0000, v26  }
0x146: {  	v39 =	vmul.f32 v18, v18;
	v18 =	vmul.f32 v40, v40;
	v29 =	vand.u32 $0xFFFF0000, v24  }
0x147: {  	s10 =	sadd.s32 $0x100, s10;
	s11 =	sadd.s32 $0x100, s11;
	v35 =	vmul.f32 v43, v43;
	v28 =	vshll.u32 v24, $0x10  }
0x148: {  	v24 =	vmul.f32 v36, v36;
	v30 =	vmul.f32 v30, v30  }
0x149: {  	v31 =	vshll.u32 v31, $0x10;
	v47 =	vadd.f32 v39, v38;
	v48 =	vmul.f32 v25, v25  }
0x14a: {  	v49 =	vmul.f32 v37, v37;
	v33 =	vshll.u32 v33, $0x10;
	v13 =	vmul.f32 v13, v13  }
0x14b: {  	v21 =	vadd.f32 v21, v34;
	v14 =	vmul.f32 v14, v14;
	v11 =	vmul.f32 v11, v11  }
0x14c: {  	v22 =	vadd.f32 v32, v22;
	v17 =	vmul.f32 v17, v17;
	v10 =	vmul.f32 v10, v10  }
0x14d: {  	v51 =	vshll.u32 v27, $0x10;
	v53 =	vmul.f32 v29, v29;
	v55 =	vmul.f32 v28, v28  }
0x14e: {  	v57 =	vand.u32 $0xFFFF0000, v27;
	v50 =	vmul.f32 v33, v33;
	v8 =	vadd.f32 v24, v8  }
0x14f: {  	v32 =	vmul.f32 v51, v51;
	v52 =	vadd.f32 v35, v47;
	v10 =	vadd.f32 v10, v21  }
0x150: {  	v9 =	vmul.f32 v9, v9;
	v16 =	vadd.f32 v55, v16;
	v19 =	vadd.f32 v53, v19  }
0x151: {  	v31 =	vmul.f32 v31, v31;
	v22 =	vadd.f32 v50, v22;
	v54 =	vadd.f32 v32, v23  }
0x152: {  	v4 =	vmul.f32 v4, v4;
	v8 =	vadd.f32 v48, v8;
	v9 =	vadd.f32 v9, v16  }
0x153: {  	v59 =	vadd.f32 v17, v19;
	v56 =	vadd.f32 v31, v22;
	v22 =	vmul.f32 v57, v57  }
0x154: {  	v58 =	vshll.u32 v26, $0x10;
	v4 =	vadd.f32 v4, v10;
	v8 =	vadd.f32 v13, v8  }
0x155: {  	v5 =	vmul.f32 v5, v5;
	v13 =	vadd.f32 v49, v52;
	v15 =	vadd.f32 v22, v15  }
0x156: {  	v23 =	vmul.f32 v58, v58;
	v9 =	vadd.f32 v14, v9;
	v8 =	vadd.f32 v11, v8  }
0x157: {  	v11 =	vadd.f32 v30, v54;
	v12 =	vadd.f32 v12, v15  }
0x158: {  	v5 =	vadd.f32 v5, v59;
	v60 =	vadd.f32 v23, v56  }
0x159: {  	v7 =	vmul.f32 v7, v7;
	v11 =	vadd.f32 v20, v11;
	v61 =	vadd.f32 v18, v12  }
0x15a: {  	v2 =	vadd.f32 v2, v9;
	v3 =	vadd.f32 v3, v5  }
0x15b: {  	v62 =	vadd.f32 v7, v11;
	v6 =	vadd.f32 v6, v61  }
0x15c: {  	v63 =	vadd.f32 v60, v13;
	v4 =	vadd.f32 v8, v4  }
0x15d: {  	v2 =	vadd.f32 v2, v3;
	v3 =	vadd.f32 v62, v6;
	_ =	sdelay $0x1  }
0x15e: {  	v4 =	vadd.f32 v63, v4;
	v2 =	vadd.f32 v3, v2  }
.Ltmp4:
0x15f: {  	_ = 	snop;
	(pc) =	sbr.rel @p1 .LBB2_8-.Ltmp4, $2  }
0x160: {  	v2 =	vadd.f32 v2, v4;
	_ =	sdelay $0x1  }
0x161: {  	v1 =	vadd.f32 v2, v1;
	_ =	sdelay $0x1  }
0x162: {  	_ =	swait.ge [sflag:s31], $0x80  }
0x163: {  	[sflag:s31] =	ssyncset.done $0x0  }
0x164: {  	[sflag:s31] =	ssyncadd.s32 $0xFFFFFF80  }
0x165: {  	_ =	swait.ge [sflag:s31], $0x80  }
.Ltmp5:
0x166: {  	[sflag:s31] =	ssyncset.done $0x0;
	(pc) =	sbr.rel .LBB2_2-.Ltmp5, $4  }
0x167: {  	[sflag:s31] =	ssyncadd.s32 $0xFFFFFF80  }
0x168: {  	[tilespmem:s1], [sflag:$0x2] =	stream.indirect.gather [spmem:s2], $0x40, s29, s29, $0xb8;
	[tilespmem:$0x11E50] =	vst v63  }
0x169: {  	s8 =	sadd.s32 $0x1, s8  }
0x16a: {  	[tilespmem:s0], [sflag:$0x2] =	stream.indirect.gather [spmem:s2], $0x40, s30, s29, $0xb8;
	[tilespmem:$0x11E50] =	vst v63  }
.LBB2_9:
0x16b: {  	_ =	sfence.sel $0x180000  }
0x16c: {  	[bflag:$0x0] =	sbarrier.arrive $0xFFFF  }
0x16d: {  	_ =	strace $0x90000047  }
0x16e: {  	s0 =	stileid.u32;
	[bflag:$0x2] =	sbarrier.arrive $0xFFFF  }
0x16f: {  	p0 =	sne.s32 s0, $0x0;
	s0 =	rddreg [dreg:$0x2]  }
0x170: {  	s0 =	sadd.s32 @!p0 $0x100000, s0  }
0x171: {  	[sflag:s0] =	ssyncadd.tile.s32 @!p0 $0x1;
	_ =	shalt  }
.Lfunc_end2:
_tile_overlayer_lowered:
.L_overlay_start_2:
0x172: {  	(tag) =	ssettag $0x2  }
0x173: {  	s0 =	rddreg [dreg:$0x0];
	s2 =	stileid.u32  }
0x174: {  	s1 =	rddreg [dreg:$0x1];
	p0 =	sne.s32 s2, $0x0  }
0x175: {  	s3 =	rddreg [dreg:$0x2];
	[bflag:$0x3] =	sbarrier.arrive $0xFFFF;
	s2 =	simm.s32 @!p0 $0x1C04  }
0x176: {  	[timem:s3], [sflag:s2] =	dma.local @!p0 [hbm:s0], s1  }
0x177: {  	s0 =	simm.s32 @!p0 $0x4  }
0x178: {  	_ =	swait.ge @!p0 [sflag:s0], s1  }
0x179: {  	s1 =	ssub.s32 @!p0 $0x0, s1;
	[sflag:s0] =	ssyncset.done @!p0 $0x0  }
0x17a: {  	[sflag:s0] =	ssyncadd.s32 @!p0 s1  }
0x17b: {  	[bflag:$0x3] =	sbarrier.arrive $0xFFFF  }
0x17c: {  	_ =	shalt  }

</sc_bundles>
